<compile_context>
chip_gen: v7x
topology: tpu7x:2x2x1
jax: 0.10.2.dev20260603
libtpu: 0.0.44.dev20260713+nightly
codegen_flags: <defaults>
</compile_context>

<pallas_src>
import functools
import jax
import jax.numpy as jnp
from jax import lax
from jax.experimental import pallas as pl
from jax.experimental.pallas import tpu as pltpu
from jax.experimental.pallas import tpu_sc as plsc

B = 1024
H = 20
E = 8
CE = 64
PE = 64
OFFS = 64
NCLUST = 4096
NCAND = 4
DPFH = 3
BH = B * H
NW = 32
PC_PER = B // NW
BH_PER = BH // NW
GRPS = BH_PER // 16

_mesh = plsc.VectorSubcoreMesh(core_axis_name="c", subcore_axis_name="s")
_f32 = jnp.float32
_sc_params = pltpu.CompilerParams(use_tc_tiling_on_sc=False,
                                  needs_layout_passes=False)



@functools.partial(
    pl.kernel,
    out_type=[
        jax.ShapeDtypeStruct((B, PE), _f32),
        jax.ShapeDtypeStruct((BH, CE), _f32),
    ],
    mesh=_mesh,
    scratch_types=[
        pltpu.VMEM((PC_PER,), jnp.int32),
        pltpu.VMEM((PC_PER, PE), _f32),
        pltpu.VMEM((BH_PER,), jnp.int32),
        pltpu.VMEM((BH_PER, CE), _f32),
        pltpu.SemaphoreType.DMA,
    ],
    compiler_params=_sc_params,
)
def _gather_embeds(pc_idx, ch_idx, pc_table, cluster_table,
                   pc_out, cl_out, pidx_v, prow_v, cidx_v, crow_v, sem):
    wid = lax.axis_index("s") * 2 + lax.axis_index("c")
    pbase = wid * PC_PER
    cbase = wid * BH_PER
    pltpu.sync_copy(pc_idx.at[pl.ds(pbase, PC_PER)], pidx_v)
    cp = pltpu.async_copy(pc_table.at[pidx_v], prow_v, sem)
    pltpu.sync_copy(ch_idx.at[pl.ds(cbase, BH_PER)], cidx_v)
    cc = pltpu.async_copy(cluster_table.at[cidx_v], crow_v, sem)
    cp.wait()
    pltpu.sync_copy(prow_v, pc_out.at[pl.ds(pbase, PC_PER)])
    cc.wait()
    pltpu.sync_copy(crow_v, cl_out.at[pl.ds(cbase, BH_PER)])



@functools.partial(
    pl.kernel,
    out_type=jax.ShapeDtypeStruct((BH, CE), _f32),
    mesh=_mesh,
    scratch_types=[
        pltpu.VMEM((BH_PER,), jnp.int32),
        pltpu.VMEM((BH_PER,), jnp.int32),
        pltpu.VMEM((BH_PER,), jnp.int32),
        pltpu.VMEM((BH_PER, E), _f32),
        pltpu.VMEM((BH_PER, E), _f32),
        pltpu.VMEM((OFFS * (E * (CE + 1) + 1),), _f32),
        pltpu.VMEM((BH_PER, CE + 1), _f32),
        pltpu.SemaphoreType.DMA,
    ],
    compiler_params=_sc_params,
)
def _attn_ctx(st_rows, s1_rows, vwo_flat, idx0_hbm, idx1_hbm, off_hbm,
              ctx_out, idx0_v, idx1_v, off_v, s0_v, s1_v, vwo_v,
              out_v, sem):
    wid = lax.axis_index("s") * 2 + lax.axis_index("c")
    base = wid * BH_PER
    pltpu.sync_copy(idx0_hbm.at[pl.ds(base, BH_PER)], idx0_v)
    c0 = pltpu.async_copy(st_rows.at[idx0_v], s0_v, sem)
    pltpu.sync_copy(idx1_hbm.at[pl.ds(base, BH_PER)], idx1_v)
    c1 = pltpu.async_copy(s1_rows.at[idx1_v], s1_v, sem)
    pltpu.sync_copy(off_hbm.at[pl.ds(base, BH_PER)], off_v)
    pltpu.sync_copy(vwo_flat, vwo_v)
    c0.wait()
    c1.wait()

    lanes = lax.iota(jnp.int32, 16)

    def group(g, carry):
        rows = g * 16 + lanes
        s0 = [plsc.load_gather(s0_v, [rows, jnp.full((16,), e, jnp.int32)])
              for e in range(E)]
        s1 = [plsc.load_gather(s1_v, [rows, jnp.full((16,), e, jnp.int32)])
              for e in range(E)]
        m0 = s0[0]
        m1 = s1[0]
        for e in range(1, E):
            m0 = jnp.maximum(m0, s0[e])
            m1 = jnp.maximum(m1, s1[e])
        p0 = [jnp.exp(x - m0) for x in s0]
        p1 = [jnp.exp(x - m1) for x in s1]
        z0 = p0[0]
        z1 = p1[0]
        for e in range(1, E):
            z0 = z0 + p0[e]
            z1 = z1 + p1[e]
        r0 = 0.5 / z0
        r1 = 0.5 / z1
        w = [p0[e] * r0 + p1[e] * r1 for e in range(E)]

        offv = off_v[pl.ds(g * 16, 16)]
        vbase = offv * (E * (CE + 1) + 1)

        @plsc.parallel_loop(0, CE, unroll=4)
        def ctx_loop(c):
            cvec = jnp.broadcast_to(c, (16,))
            acc = jnp.zeros((16,), _f32)
            for e in range(E):
                acc = acc + w[e] * plsc.load_gather(
                    vwo_v, [vbase + e * (CE + 1) + cvec])
            plsc.store_scatter(out_v, [rows, cvec], acc)

        return carry

    lax.fori_loop(0, GRPS, group, 0)

    pltpu.sync_copy(out_v.at[:, pl.ds(0, CE)], ctx_out.at[pl.ds(base, BH_PER)])



def _b2_body(ct_ref, wq_ref, ot2_ref, wk_ref, wv_ref, wo_ref,
             st_ref, vwo_ref, m1_ref):
    q = jnp.dot(ct_ref[...], wq_ref[...], preferred_element_type=_f32)
    k2 = jnp.dot(ot2_ref[...], wk_ref[...], preferred_element_type=_f32)
    st = lax.dot_general(q, k2, (((1,), (1,)), ((), ())),
                         preferred_element_type=_f32) * 0.125
    for t in range(4):
        st_ref[:, 8 * t:8 * t + 8, :] = \
            st[:, 128 * t:128 * t + 128].reshape(NCLUST // 64, 8, 128)

    @pl.when(pl.program_id(0) == 0)
    def _():
        v2 = jnp.dot(ot2_ref[...], wv_ref[...], preferred_element_type=_f32)
        vwo_ref[...] = jnp.dot(v2, wo_ref[...], preferred_element_type=_f32)
        m1 = lax.dot_general(wq_ref[...], k2, (((1,), (1,)), ((), ())),
                             preferred_element_type=_f32)
        m1_ref[...] = m1 * 0.125


def _b3_body(pce_ref, m1_ref, s1_ref):
    s1 = jnp.dot(pce_ref[...], m1_ref[...], preferred_element_type=_f32)
    for t in range(4):
        s1_ref[:, 8 * t:8 * t + 8, :] = \
            s1[:, 128 * t:128 * t + 128].reshape(B // 8, 8, 128)


def _d_body(pce_ref, cl_ref, ctx_ref, dpf_ref, wp_ref, wc_ref, wx_ref,
            wd_ref, bias_ref, out_ref):
    acc = jnp.dot(pce_ref[...], wp_ref[...], preferred_element_type=_f32)
    acc = acc + jnp.dot(cl_ref[...], wc_ref[...], preferred_element_type=_f32)
    acc = acc + jnp.dot(ctx_ref[...], wx_ref[...], preferred_element_type=_f32)
    acc = acc + jnp.dot(dpf_ref[...], wd_ref[...], preferred_element_type=_f32)
    out_ref[...] = acc + bias_ref[...]


def kernel(cluster_history, offset_history, pc, dpf_vectors, pc_table,
           cluster_table, offset_table, Wq, Wk, Wv, Wo, W_cand, b_cand,
           W_off, b_off):
    ch = cluster_history.reshape(-1)
    off = offset_history.reshape(-1)
    pc_idx = pc.reshape(-1)
    ot2 = offset_table.reshape(OFFS * E, CE)

    pc_embed, cl_embed = _gather_embeds(pc_idx, ch, pc_table, cluster_table)

    st_t, vwo, m1 = pl.pallas_call(
        _b2_body,
        grid=(8,),
        in_specs=[
            pl.BlockSpec((NCLUST // 8, CE), lambda i: (i, 0)),
            pl.BlockSpec((CE, CE), lambda i: (0, 0)),
            pl.BlockSpec((OFFS * E, CE), lambda i: (0, 0)),
            pl.BlockSpec((CE, CE), lambda i: (0, 0)),
            pl.BlockSpec((CE, CE), lambda i: (0, 0)),
            pl.BlockSpec((CE, CE), lambda i: (0, 0)),
        ],
        out_specs=[
            pl.BlockSpec((NCLUST // 64, 32, 128), lambda i: (i, 0, 0)),
            pl.BlockSpec((OFFS * E, CE), lambda i: (0, 0)),
            pl.BlockSpec((CE, OFFS * E), lambda i: (0, 0)),
        ],
        out_shape=[
            jax.ShapeDtypeStruct((NCLUST // 8, 32, 128), _f32),
            jax.ShapeDtypeStruct((OFFS * E, CE), _f32),
            jax.ShapeDtypeStruct((CE, OFFS * E), _f32),
        ],
    )(cluster_table, Wq, ot2, Wk, Wv, Wo)

    s1_t = pl.pallas_call(
        _b3_body,
        out_shape=jax.ShapeDtypeStruct((B // 8, 32, 128), _f32),
    )(pc_embed, m1)

    bidx = lax.iota(jnp.int32, BH) // H
    idx0 = ((ch >> 3) << 9) + ((off >> 4) << 7) + ((ch & 7) << 4) + (off & 15)
    idx1 = ((bidx >> 3) << 9) + ((off >> 4) << 7) + ((bidx & 7) << 4) + (off & 15)
    vwo_pad = jnp.pad(vwo, ((0, 0), (0, 1))).reshape(OFFS, E * (CE + 1))
    vwo_pad = jnp.pad(vwo_pad, ((0, 0), (0, 1)))
    ctx = _attn_ctx(st_t.reshape(NCLUST * OFFS, E), s1_t.reshape(B * OFFS, E),
                    vwo_pad.reshape(-1), idx0, idx1, off)

    wfull = jnp.concatenate([W_cand, W_off], axis=1)
    bias = jnp.concatenate([b_cand, b_off]).reshape(1, NCAND + 1 + OFFS)
    nout = NCAND + 1 + OFFS
    out = pl.pallas_call(
        _d_body,
        grid=(8,),
        in_specs=[
            pl.BlockSpec((B // 8, PE), lambda i: (i, 0)),
            pl.BlockSpec((B // 8, H * CE), lambda i: (i, 0)),
            pl.BlockSpec((B // 8, H * CE), lambda i: (i, 0)),
            pl.BlockSpec((B // 8, DPFH * NCAND), lambda i: (i, 0)),
            pl.BlockSpec((PE, nout), lambda i: (0, 0)),
            pl.BlockSpec((H * CE, nout), lambda i: (0, 0)),
            pl.BlockSpec((H * CE, nout), lambda i: (0, 0)),
            pl.BlockSpec((DPFH * NCAND, nout), lambda i: (0, 0)),
            pl.BlockSpec((1, nout), lambda i: (0, 0)),
        ],
        out_specs=pl.BlockSpec((B // 8, nout), lambda i: (i, 0)),
        out_shape=jax.ShapeDtypeStruct((B, nout), _f32),
    )(pc_embed, cl_embed.reshape(B, H * CE), ctx.reshape(B, H * CE),
      dpf_vectors.reshape(B, DPFH * NCAND), wfull[:PE],
      wfull[PE:PE + H * CE], wfull[PE + H * CE:PE + 2 * H * CE],
      wfull[PE + 2 * H * CE:], bias)

    return (out[:, :NCAND + 1], out[:, NCAND + 1:])

# --- scband reference (transcript-rebuilt; emitter-appended) ---
"""Pipeline reference for scband-tlite-17935783428099 (READ-ONLY COPY).

The authoritative reference and input builder live on the scoring server;
editing this copy changes nothing except your own understanding.
"""

import jax, jax.numpy as jnp
import numpy as np

B = 1024; H = 20; E = 8; CE = 64; PE = 64
NPCS = 100000; NCLUST = 4096; OFFS = 64; NCAND = 4; DPFH = 3
COMB = PE + H * CE + H * CE + DPFH * NCAND


def setup_inputs(seed: int = 0):
    key = jax.random.key(seed)
    ks = jax.random.split(key, 16)
    inp = {}
    inp["cluster_history"] = jax.random.randint(ks[0], (B, H), 0, NCLUST, dtype=jnp.int32)
    inp["offset_history"] = jax.random.randint(ks[1], (B, H), 0, OFFS, dtype=jnp.int32)
    inp["pc"] = jax.random.randint(ks[2], (B, 1), 0, NPCS, dtype=jnp.int32)
    inp["dpf_vectors"] = jax.random.uniform(ks[3], (B, DPFH, NCAND), dtype=jnp.float32)
    inp["pc_table"] = jax.random.normal(ks[4], (NPCS, PE), dtype=jnp.float32) * 0.02
    inp["cluster_table"] = jax.random.normal(ks[5], (NCLUST, CE), dtype=jnp.float32) * 0.02
    inp["offset_table"] = jax.random.normal(ks[6], (OFFS, E * CE), dtype=jnp.float32) * 0.02
    s = 1.0 / np.sqrt(CE)
    inp["Wq"] = jax.random.normal(ks[7], (CE, CE), dtype=jnp.float32) * s
    inp["Wk"] = jax.random.normal(ks[8], (CE, CE), dtype=jnp.float32) * s
    inp["Wv"] = jax.random.normal(ks[9], (CE, CE), dtype=jnp.float32) * s
    inp["Wo"] = jax.random.normal(ks[10], (CE, CE), dtype=jnp.float32) * s
    sc = 1.0 / np.sqrt(COMB)
    inp["W_cand"] = jax.random.normal(ks[11], (COMB, NCAND + 1), dtype=jnp.float32) * sc
    inp["b_cand"] = jnp.zeros((NCAND + 1,), dtype=jnp.float32)
    inp["W_off"] = jax.random.normal(ks[12], (COMB, OFFS), dtype=jnp.float32) * sc
    inp["b_off"] = jnp.zeros((OFFS,), dtype=jnp.float32)
    return inp


def reference(cluster_history, offset_history, pc, dpf_vectors, pc_table, cluster_table,
              offset_table, Wq, Wk, Wv, Wo, W_cand, b_cand, W_off, b_off):
    b = cluster_history.shape[0]
    # embedding lookups (SparseCore gathers)
    cluster_embed = jnp.take(cluster_table, cluster_history, axis=0)            # [B,H,CE]
    offset_embed = jnp.take(offset_table, offset_history, axis=0)               # [B,H,E*CE]
    offset_embed = offset_embed.reshape(b, H, E, CE)                            # mixture-of-experts view
    pc_embed = jnp.take(pc_table, pc[:, 0], axis=0)                             # [B,PE]
    # context query: cluster context per step + PC context broadcast over history
    ctx = jnp.concatenate([
        cluster_embed[:, :, None, :],
        jnp.broadcast_to(pc_embed[:, None, None, :], (b, H, 1, CE)),
    ], axis=2)                                                                   # [B,H,2,CE]
    # single-head attention over the expert axis (keras MHA, num_heads=1)
    q = ctx @ Wq                                                                 # [B,H,2,CE]
    k = offset_embed @ Wk                                                        # [B,H,E,CE]
    v = offset_embed @ Wv                                                        # [B,H,E,CE]
    scores = jnp.einsum('bhqd,bhed->bhqe', q, k) / jnp.sqrt(jnp.float32(CE))
    attn = jax.nn.softmax(scores, axis=-1)
    o = jnp.einsum('bhqe,bhed->bhqd', attn, v) @ Wo                              # [B,H,2,CE]
    context_aware_offset = jnp.mean(o, axis=2)                                   # [B,H,CE]
    # flatten + concat features
    dpf_flat = dpf_vectors.reshape(b, DPFH * NCAND)
    cluster_flat = cluster_embed.reshape(b, H * CE)
    offset_flat = context_aware_offset.reshape(b, H * CE)
    combined = jnp.concatenate([pc_embed, cluster_flat, offset_flat, dpf_flat], axis=1)
    candidate_logits = combined @ W_cand + b_cand
    offset_logits = combined @ W_off + b_off
    return (candidate_logits, offset_logits)

if __name__ == "__main__":
    import jax
    _d = setup_inputs()
    print(jax.jit(kernel)(*tuple(_d.values())))

</pallas_src>

<mosaic_0001>
#map = affine_map<(d0, d1) -> (0, 0)>
#map1 = affine_map<(d0, d1) -> (0)>
module attributes {stable_mosaic.version = 14 : i64} {
  func.func @_attn_ctx(%arg0: i32, %arg1: i32, %arg2: memref<262144x8xf32, #tpu.memory_space<hbm>>, %arg3: memref<65536x8xf32, #tpu.memory_space<hbm>>, %arg4: memref<33344xf32, #tpu.memory_space<hbm>>, %arg5: memref<20480xi32, #tpu.memory_space<hbm>>, %arg6: memref<20480xi32, #tpu.memory_space<hbm>>, %arg7: memref<20480xi32, #tpu.memory_space<hbm>>, %arg8: memref<20480x64xf32, #tpu.memory_space<hbm>>, %arg9: memref<640xi32, #tpu.memory_space<vmem>>, %arg10: memref<640xi32, #tpu.memory_space<vmem>>, %arg11: memref<640xi32, #tpu.memory_space<vmem>>, %arg12: memref<640x8xf32, #tpu.memory_space<vmem>>, %arg13: memref<640x8xf32, #tpu.memory_space<vmem>>, %arg14: memref<33344xf32, #tpu.memory_space<vmem>>, %arg15: memref<640x65xf32, #tpu.memory_space<vmem>>, %arg16: memref<!tpu.dma_semaphore, #tpu.memory_space<semaphore_mem>>) attributes {dimension_semantics = [#tpu.dimension_semantics<core_parallel>, #tpu.dimension_semantics<subcore_parallel>], iteration_bounds = array<i64: 2, 16>, scalar_prefetch = 0 : i64, scratch_operands = 8 : i64, tpu.core_type = #tpu.core_type<sc_vector_subcore>, window_params = [{transform_indices = #map}, {transform_indices = #map}, {transform_indices = #map1}, {transform_indices = #map1}, {transform_indices = #map1}, {transform_indices = #map1}, {transform_indices = #map}]} {
    %mul3A = arith.constant 2 : i32
    %mul3A_0 = arith.muli %arg1, %mul3A : i32
    %add3A = arith.addi %mul3A_0, %arg0 : i32
    %mul3A_1 = arith.constant 640 : i32
    %mul3A_2 = arith.muli %add3A, %mul3A_1 : i32
    "tpu.region"() ({
      %run_scoped3A = tpu.sem_alloc : memref<!tpu.dma_semaphore, #tpu.memory_space<semaphore_mem>>
      %dma_start3A_18 = tpu.memref_slice %arg5[%mul3A_2] : memref<20480xi32, #tpu.memory_space<hbm>> -> memref<640xi32, #tpu.memory_space<hbm>>
      %dma_start3A_19 = tpu.memref_slice %arg5[%mul3A_2] : memref<20480xi32, #tpu.memory_space<hbm>> -> memref<640xi32, #tpu.memory_space<hbm>>
      tpu.enqueue_dma source(%dma_start3A_19 : memref<640xi32, #tpu.memory_space<hbm>>) target(%arg9 : memref<640xi32, #tpu.memory_space<vmem>>) target_semaphore(%run_scoped3A : memref<!tpu.dma_semaphore, #tpu.memory_space<semaphore_mem>>)
      %dma_wait3A_20 = tpu.memref_slice %arg5[%mul3A_2] : memref<20480xi32, #tpu.memory_space<hbm>> -> memref<640xi32, #tpu.memory_space<hbm>>
      %dma_wait3A_21 = tpu.memref_slice %arg5[%mul3A_2] : memref<20480xi32, #tpu.memory_space<hbm>> -> memref<640xi32, #tpu.memory_space<hbm>>
      tpu.wait_dma2 semaphore(%run_scoped3A : memref<!tpu.dma_semaphore, #tpu.memory_space<semaphore_mem>>) src(%dma_wait3A_21 : memref<640xi32, #tpu.memory_space<hbm>>) dst(%arg9 : memref<640xi32, #tpu.memory_space<vmem>>)
      tpu.yield
    }) : () -> ()
    %dma_start3A = arith.constant 0 : i32
    %dma_start3A_3 = arith.constant 0 : i32
    %dma_start3A_4 = tpu.memref_slice %arg2[%dma_start3A, %dma_start3A_3] : memref<262144x8xf32, #tpu.memory_space<hbm>> -> memref<262144x8xf32, #tpu.memory_space<hbm>>
    tpu.enqueue_indirect_dma source(%dma_start3A_4 : memref<262144x8xf32, #tpu.memory_space<hbm>>) target(%arg12 : memref<640x8xf32, #tpu.memory_space<vmem>>) offsets(%arg9 : memref<640xi32, #tpu.memory_space<vmem>>) semaphore(%arg16 : memref<!tpu.dma_semaphore, #tpu.memory_space<semaphore_mem>>)
    "tpu.region"() ({
      %run_scoped3A = tpu.sem_alloc : memref<!tpu.dma_semaphore, #tpu.memory_space<semaphore_mem>>
      %dma_start3A_18 = tpu.memref_slice %arg6[%mul3A_2] : memref<20480xi32, #tpu.memory_space<hbm>> -> memref<640xi32, #tpu.memory_space<hbm>>
      %dma_start3A_19 = tpu.memref_slice %arg6[%mul3A_2] : memref<20480xi32, #tpu.memory_space<hbm>> -> memref<640xi32, #tpu.memory_space<hbm>>
      tpu.enqueue_dma source(%dma_start3A_19 : memref<640xi32, #tpu.memory_space<hbm>>) target(%arg10 : memref<640xi32, #tpu.memory_space<vmem>>) target_semaphore(%run_scoped3A : memref<!tpu.dma_semaphore, #tpu.memory_space<semaphore_mem>>)
      %dma_wait3A_20 = tpu.memref_slice %arg6[%mul3A_2] : memref<20480xi32, #tpu.memory_space<hbm>> -> memref<640xi32, #tpu.memory_space<hbm>>
      %dma_wait3A_21 = tpu.memref_slice %arg6[%mul3A_2] : memref<20480xi32, #tpu.memory_space<hbm>> -> memref<640xi32, #tpu.memory_space<hbm>>
      tpu.wait_dma2 semaphore(%run_scoped3A : memref<!tpu.dma_semaphore, #tpu.memory_space<semaphore_mem>>) src(%dma_wait3A_21 : memref<640xi32, #tpu.memory_space<hbm>>) dst(%arg10 : memref<640xi32, #tpu.memory_space<vmem>>)
      tpu.yield
    }) : () -> ()
    %dma_start3A_5 = arith.constant 0 : i32
    %dma_start3A_6 = arith.constant 0 : i32
    %dma_start3A_7 = tpu.memref_slice %arg3[%dma_start3A_5, %dma_start3A_6] : memref<65536x8xf32, #tpu.memory_space<hbm>> -> memref<65536x8xf32, #tpu.memory_space<hbm>>
    tpu.enqueue_indirect_dma source(%dma_start3A_7 : memref<65536x8xf32, #tpu.memory_space<hbm>>) target(%arg13 : memref<640x8xf32, #tpu.memory_space<vmem>>) offsets(%arg10 : memref<640xi32, #tpu.memory_space<vmem>>) semaphore(%arg16 : memref<!tpu.dma_semaphore, #tpu.memory_space<semaphore_mem>>)
    "tpu.region"() ({
      %run_scoped3A = tpu.sem_alloc : memref<!tpu.dma_semaphore, #tpu.memory_space<semaphore_mem>>
      %dma_start3A_18 = tpu.memref_slice %arg7[%mul3A_2] : memref<20480xi32, #tpu.memory_space<hbm>> -> memref<640xi32, #tpu.memory_space<hbm>>
      %dma_start3A_19 = tpu.memref_slice %arg7[%mul3A_2] : memref<20480xi32, #tpu.memory_space<hbm>> -> memref<640xi32, #tpu.memory_space<hbm>>
      tpu.enqueue_dma source(%dma_start3A_19 : memref<640xi32, #tpu.memory_space<hbm>>) target(%arg11 : memref<640xi32, #tpu.memory_space<vmem>>) target_semaphore(%run_scoped3A : memref<!tpu.dma_semaphore, #tpu.memory_space<semaphore_mem>>)
      %dma_wait3A_20 = tpu.memref_slice %arg7[%mul3A_2] : memref<20480xi32, #tpu.memory_space<hbm>> -> memref<640xi32, #tpu.memory_space<hbm>>
      %dma_wait3A_21 = tpu.memref_slice %arg7[%mul3A_2] : memref<20480xi32, #tpu.memory_space<hbm>> -> memref<640xi32, #tpu.memory_space<hbm>>
      tpu.wait_dma2 semaphore(%run_scoped3A : memref<!tpu.dma_semaphore, #tpu.memory_space<semaphore_mem>>) src(%dma_wait3A_21 : memref<640xi32, #tpu.memory_space<hbm>>) dst(%arg11 : memref<640xi32, #tpu.memory_space<vmem>>)
      tpu.yield
    }) : () -> ()
    "tpu.region"() ({
      %run_scoped3A = tpu.sem_alloc : memref<!tpu.dma_semaphore, #tpu.memory_space<semaphore_mem>>
      tpu.enqueue_dma source(%arg4 : memref<33344xf32, #tpu.memory_space<hbm>>) target(%arg14 : memref<33344xf32, #tpu.memory_space<vmem>>) target_semaphore(%run_scoped3A : memref<!tpu.dma_semaphore, #tpu.memory_space<semaphore_mem>>)
      tpu.wait_dma2 semaphore(%run_scoped3A : memref<!tpu.dma_semaphore, #tpu.memory_space<semaphore_mem>>) src(%arg4 : memref<33344xf32, #tpu.memory_space<hbm>>) dst(%arg14 : memref<33344xf32, #tpu.memory_space<vmem>>)
      tpu.yield
    }) : () -> ()
    %dma_wait3A = arith.constant 0 : i32
    %dma_wait3A_8 = arith.constant 0 : i32
    %dma_wait3A_9 = tpu.memref_slice %arg2[%dma_wait3A, %dma_wait3A_8] : memref<262144x8xf32, #tpu.memory_space<hbm>> -> memref<262144x8xf32, #tpu.memory_space<hbm>>
    tpu.wait_indirect_dma semaphore(%arg16 : memref<!tpu.dma_semaphore, #tpu.memory_space<semaphore_mem>>) src(%dma_wait3A_9 : memref<262144x8xf32, #tpu.memory_space<hbm>>) dst(%arg12 : memref<640x8xf32, #tpu.memory_space<vmem>>)
    %dma_wait3A_10 = arith.constant 0 : i32
    %dma_wait3A_11 = arith.constant 0 : i32
    %dma_wait3A_12 = tpu.memref_slice %arg3[%dma_wait3A_10, %dma_wait3A_11] : memref<65536x8xf32, #tpu.memory_space<hbm>> -> memref<65536x8xf32, #tpu.memory_space<hbm>>
    tpu.wait_indirect_dma semaphore(%arg16 : memref<!tpu.dma_semaphore, #tpu.memory_space<semaphore_mem>>) src(%dma_wait3A_12 : memref<65536x8xf32, #tpu.memory_space<hbm>>) dst(%arg13 : memref<640x8xf32, #tpu.memory_space<vmem>>)
    %iota3A = tpu.iota {dimensions = array<i32: 0>} : vector<16xi32>
    %scan3A = arith.constant 0 : i32
    %scan3A_13 = arith.constant 0 : i32
    %scan3A_14 = arith.constant 40 : i32
    %scan3A_15 = arith.addi %scan3A_13, %scan3A_14 : i32
    %scan3A_16 = arith.constant 1 : i32
    scf.for %scan3A_18 = %scan3A_13 to %scan3A_15 step %scan3A_16  : i32 {
      %mul3A_19 = arith.constant 16 : i32
      %mul3A_20 = arith.muli %scan3A_18, %mul3A_19 : i32
      %add3A_21 = vector.broadcast %mul3A_20 : i32 to vector<16xi32>
      %add3A_22 = arith.addi %add3A_21, %iota3A : vector<16xi32>
      %broadcast_in_dim3A = arith.constant 0 : i32
      %broadcast_in_dim3A_23 = vector.broadcast %broadcast_in_dim3A : i32 to vector<16xi32>
      %gather3A = tpu.vector_load_idx %arg12[%add3A_22, %broadcast_in_dim3A_23] : memref<640x8xf32, #tpu.memory_space<vmem>>[vector<16xi32>, vector<16xi32>], vector<16xf32>,
      %broadcast_in_dim3A_24 = arith.constant 1 : i32
      %broadcast_in_dim3A_25 = vector.broadcast %broadcast_in_dim3A_24 : i32 to vector<16xi32>
      %gather3A_26 = tpu.vector_load_idx %arg12[%add3A_22, %broadcast_in_dim3A_25] : memref<640x8xf32, #tpu.memory_space<vmem>>[vector<16xi32>, vector<16xi32>], vector<16xf32>,
      %broadcast_in_dim3A_27 = arith.constant 2 : i32
      %broadcast_in_dim3A_28 = vector.broadcast %broadcast_in_dim3A_27 : i32 to vector<16xi32>
      %gather3A_29 = tpu.vector_load_idx %arg12[%add3A_22, %broadcast_in_dim3A_28] : memref<640x8xf32, #tpu.memory_space<vmem>>[vector<16xi32>, vector<16xi32>], vector<16xf32>,
      %broadcast_in_dim3A_30 = arith.constant 3 : i32
      %broadcast_in_dim3A_31 = vector.broadcast %broadcast_in_dim3A_30 : i32 to vector<16xi32>
      %gather3A_32 = tpu.vector_load_idx %arg12[%add3A_22, %broadcast_in_dim3A_31] : memref<640x8xf32, #tpu.memory_space<vmem>>[vector<16xi32>, vector<16xi32>], vector<16xf32>,
      %broadcast_in_dim3A_33 = arith.constant 4 : i32
      %broadcast_in_dim3A_34 = vector.broadcast %broadcast_in_dim3A_33 : i32 to vector<16xi32>
      %gather3A_35 = tpu.vector_load_idx %arg12[%add3A_22, %broadcast_in_dim3A_34] : memref<640x8xf32, #tpu.memory_space<vmem>>[vector<16xi32>, vector<16xi32>], vector<16xf32>,
      %broadcast_in_dim3A_36 = arith.constant 5 : i32
      %broadcast_in_dim3A_37 = vector.broadcast %broadcast_in_dim3A_36 : i32 to vector<16xi32>
      %gather3A_38 = tpu.vector_load_idx %arg12[%add3A_22, %broadcast_in_dim3A_37] : memref<640x8xf32, #tpu.memory_space<vmem>>[vector<16xi32>, vector<16xi32>], vector<16xf32>,
      %broadcast_in_dim3A_39 = arith.constant 6 : i32
      %broadcast_in_dim3A_40 = vector.broadcast %broadcast_in_dim3A_39 : i32 to vector<16xi32>
      %gather3A_41 = tpu.vector_load_idx %arg12[%add3A_22, %broadcast_in_dim3A_40] : memref<640x8xf32, #tpu.memory_space<vmem>>[vector<16xi32>, vector<16xi32>], vector<16xf32>,
      %broadcast_in_dim3A_42 = arith.constant 7 : i32
      %broadcast_in_dim3A_43 = vector.broadcast %broadcast_in_dim3A_42 : i32 to vector<16xi32>
      %gather3A_44 = tpu.vector_load_idx %arg12[%add3A_22, %broadcast_in_dim3A_43] : memref<640x8xf32, #tpu.memory_space<vmem>>[vector<16xi32>, vector<16xi32>], vector<16xf32>,
      %broadcast_in_dim3A_45 = arith.constant 0 : i32
      %broadcast_in_dim3A_46 = vector.broadcast %broadcast_in_dim3A_45 : i32 to vector<16xi32>
      %gather3A_47 = tpu.vector_load_idx %arg13[%add3A_22, %broadcast_in_dim3A_46] : memref<640x8xf32, #tpu.memory_space<vmem>>[vector<16xi32>, vector<16xi32>], vector<16xf32>,
      %broadcast_in_dim3A_48 = arith.constant 1 : i32
      %broadcast_in_dim3A_49 = vector.broadcast %broadcast_in_dim3A_48 : i32 to vector<16xi32>
      %gather3A_50 = tpu.vector_load_idx %arg13[%add3A_22, %broadcast_in_dim3A_49] : memref<640x8xf32, #tpu.memory_space<vmem>>[vector<16xi32>, vector<16xi32>], vector<16xf32>,
      %broadcast_in_dim3A_51 = arith.constant 2 : i32
      %broadcast_in_dim3A_52 = vector.broadcast %broadcast_in_dim3A_51 : i32 to vector<16xi32>
      %gather3A_53 = tpu.vector_load_idx %arg13[%add3A_22, %broadcast_in_dim3A_52] : memref<640x8xf32, #tpu.memory_space<vmem>>[vector<16xi32>, vector<16xi32>], vector<16xf32>,
      %broadcast_in_dim3A_54 = arith.constant 3 : i32
      %broadcast_in_dim3A_55 = vector.broadcast %broadcast_in_dim3A_54 : i32 to vector<16xi32>
      %gather3A_56 = tpu.vector_load_idx %arg13[%add3A_22, %broadcast_in_dim3A_55] : memref<640x8xf32, #tpu.memory_space<vmem>>[vector<16xi32>, vector<16xi32>], vector<16xf32>,
      %broadcast_in_dim3A_57 = arith.constant 4 : i32
      %broadcast_in_dim3A_58 = vector.broadcast %broadcast_in_dim3A_57 : i32 to vector<16xi32>
      %gather3A_59 = tpu.vector_load_idx %arg13[%add3A_22, %broadcast_in_dim3A_58] : memref<640x8xf32, #tpu.memory_space<vmem>>[vector<16xi32>, vector<16xi32>], vector<16xf32>,
      %broadcast_in_dim3A_60 = arith.constant 5 : i32
      %broadcast_in_dim3A_61 = vector.broadcast %broadcast_in_dim3A_60 : i32 to vector<16xi32>
      %gather3A_62 = tpu.vector_load_idx %arg13[%add3A_22, %broadcast_in_dim3A_61] : memref<640x8xf32, #tpu.memory_space<vmem>>[vector<16xi32>, vector<16xi32>], vector<16xf32>,
      %broadcast_in_dim3A_63 = arith.constant 6 : i32
      %broadcast_in_dim3A_64 = vector.broadcast %broadcast_in_dim3A_63 : i32 to vector<16xi32>
      %gather3A_65 = tpu.vector_load_idx %arg13[%add3A_22, %broadcast_in_dim3A_64] : memref<640x8xf32, #tpu.memory_space<vmem>>[vector<16xi32>, vector<16xi32>], vector<16xf32>,
      %broadcast_in_dim3A_66 = arith.constant 7 : i32
      %broadcast_in_dim3A_67 = vector.broadcast %broadcast_in_dim3A_66 : i32 to vector<16xi32>
      %gather3A_68 = tpu.vector_load_idx %arg13[%add3A_22, %broadcast_in_dim3A_67] : memref<640x8xf32, #tpu.memory_space<vmem>>[vector<16xi32>, vector<16xi32>], vector<16xf32>,
      %max3A = arith.maximumf %gather3A, %gather3A_26 : vector<16xf32>
      %max3A_69 = arith.maximumf %gather3A_47, %gather3A_50 : vector<16xf32>
      %max3A_70 = arith.maximumf %max3A, %gather3A_29 : vector<16xf32>
      %max3A_71 = arith.maximumf %max3A_69, %gather3A_53 : vector<16xf32>
      %max3A_72 = arith.maximumf %max3A_70, %gather3A_32 : vector<16xf32>
      %max3A_73 = arith.maximumf %max3A_71, %gather3A_56 : vector<16xf32>
      %max3A_74 = arith.maximumf %max3A_72, %gather3A_35 : vector<16xf32>
      %max3A_75 = arith.maximumf %max3A_73, %gather3A_59 : vector<16xf32>
      %max3A_76 = arith.maximumf %max3A_74, %gather3A_38 : vector<16xf32>
      %max3A_77 = arith.maximumf %max3A_75, %gather3A_62 : vector<16xf32>
      %max3A_78 = arith.maximumf %max3A_76, %gather3A_41 : vector<16xf32>
      %max3A_79 = arith.maximumf %max3A_77, %gather3A_65 : vector<16xf32>
      %max3A_80 = arith.maximumf %max3A_78, %gather3A_44 : vector<16xf32>
      %max3A_81 = arith.maximumf %max3A_79, %gather3A_68 : vector<16xf32>
      %sub3A = arith.subf %gather3A, %max3A_80 : vector<16xf32>
      %exp3A = math.exp %sub3A : vector<16xf32>
      %sub3A_82 = arith.subf %gather3A_26, %max3A_80 : vector<16xf32>
      %exp3A_83 = math.exp %sub3A_82 : vector<16xf32>
      %sub3A_84 = arith.subf %gather3A_29, %max3A_80 : vector<16xf32>
      %exp3A_85 = math.exp %sub3A_84 : vector<16xf32>
      %sub3A_86 = arith.subf %gather3A_32, %max3A_80 : vector<16xf32>
      %exp3A_87 = math.exp %sub3A_86 : vector<16xf32>
      %sub3A_88 = arith.subf %gather3A_35, %max3A_80 : vector<16xf32>
      %exp3A_89 = math.exp %sub3A_88 : vector<16xf32>
      %sub3A_90 = arith.subf %gather3A_38, %max3A_80 : vector<16xf32>
      %exp3A_91 = math.exp %sub3A_90 : vector<16xf32>
      %sub3A_92 = arith.subf %gather3A_41, %max3A_80 : vector<16xf32>
      %exp3A_93 = math.exp %sub3A_92 : vector<16xf32>
      %sub3A_94 = arith.subf %gather3A_44, %max3A_80 : vector<16xf32>
      %exp3A_95 = math.exp %sub3A_94 : vector<16xf32>
      %sub3A_96 = arith.subf %gather3A_47, %max3A_81 : vector<16xf32>
      %exp3A_97 = math.exp %sub3A_96 : vector<16xf32>
      %sub3A_98 = arith.subf %gather3A_50, %max3A_81 : vector<16xf32>
      %exp3A_99 = math.exp %sub3A_98 : vector<16xf32>
      %sub3A_100 = arith.subf %gather3A_53, %max3A_81 : vector<16xf32>
      %exp3A_101 = math.exp %sub3A_100 : vector<16xf32>
      %sub3A_102 = arith.subf %gather3A_56, %max3A_81 : vector<16xf32>
      %exp3A_103 = math.exp %sub3A_102 : vector<16xf32>
      %sub3A_104 = arith.subf %gather3A_59, %max3A_81 : vector<16xf32>
      %exp3A_105 = math.exp %sub3A_104 : vector<16xf32>
      %sub3A_106 = arith.subf %gather3A_62, %max3A_81 : vector<16xf32>
      %exp3A_107 = math.exp %sub3A_106 : vector<16xf32>
      %sub3A_108 = arith.subf %gather3A_65, %max3A_81 : vector<16xf32>
      %exp3A_109 = math.exp %sub3A_108 : vector<16xf32>
      %sub3A_110 = arith.subf %gather3A_68, %max3A_81 : vector<16xf32>
      %exp3A_111 = math.exp %sub3A_110 : vector<16xf32>
      %add3A_112 = arith.addf %exp3A, %exp3A_83 : vector<16xf32>
      %add3A_113 = arith.addf %exp3A_97, %exp3A_99 : vector<16xf32>
      %add3A_114 = arith.addf %add3A_112, %exp3A_85 : vector<16xf32>
      %add3A_115 = arith.addf %add3A_113, %exp3A_101 : vector<16xf32>
      %add3A_116 = arith.addf %add3A_114, %exp3A_87 : vector<16xf32>
      %add3A_117 = arith.addf %add3A_115, %exp3A_103 : vector<16xf32>
      %add3A_118 = arith.addf %add3A_116, %exp3A_89 : vector<16xf32>
      %add3A_119 = arith.addf %add3A_117, %exp3A_105 : vector<16xf32>
      %add3A_120 = arith.addf %add3A_118, %exp3A_91 : vector<16xf32>
      %add3A_121 = arith.addf %add3A_119, %exp3A_107 : vector<16xf32>
      %add3A_122 = arith.addf %add3A_120, %exp3A_93 : vector<16xf32>
      %add3A_123 = arith.addf %add3A_121, %exp3A_109 : vector<16xf32>
      %add3A_124 = arith.addf %add3A_122, %exp3A_95 : vector<16xf32>
      %add3A_125 = arith.addf %add3A_123, %exp3A_111 : vector<16xf32>
      %div3A = arith.constant 5.000000e-01 : f32
      %div3A_126 = vector.broadcast %div3A : f32 to vector<16xf32>
      %div3A_127 = arith.divf %div3A_126, %add3A_124 : vector<16xf32>
      %div3A_128 = arith.constant 5.000000e-01 : f32
      %div3A_129 = vector.broadcast %div3A_128 : f32 to vector<16xf32>
      %div3A_130 = arith.divf %div3A_129, %add3A_125 : vector<16xf32>
      %mul3A_131 = arith.mulf %exp3A, %div3A_127 : vector<16xf32>
      %mul3A_132 = arith.mulf %exp3A_97, %div3A_130 : vector<16xf32>
      %add3A_133 = arith.addf %mul3A_131, %mul3A_132 : vector<16xf32>
      %mul3A_134 = arith.mulf %exp3A_83, %div3A_127 : vector<16xf32>
      %mul3A_135 = arith.mulf %exp3A_99, %div3A_130 : vector<16xf32>
      %add3A_136 = arith.addf %mul3A_134, %mul3A_135 : vector<16xf32>
      %mul3A_137 = arith.mulf %exp3A_85, %div3A_127 : vector<16xf32>
      %mul3A_138 = arith.mulf %exp3A_101, %div3A_130 : vector<16xf32>
      %add3A_139 = arith.addf %mul3A_137, %mul3A_138 : vector<16xf32>
      %mul3A_140 = arith.mulf %exp3A_87, %div3A_127 : vector<16xf32>
      %mul3A_141 = arith.mulf %exp3A_103, %div3A_130 : vector<16xf32>
      %add3A_142 = arith.addf %mul3A_140, %mul3A_141 : vector<16xf32>
      %mul3A_143 = arith.mulf %exp3A_89, %div3A_127 : vector<16xf32>
      %mul3A_144 = arith.mulf %exp3A_105, %div3A_130 : vector<16xf32>
      %add3A_145 = arith.addf %mul3A_143, %mul3A_144 : vector<16xf32>
      %mul3A_146 = arith.mulf %exp3A_91, %div3A_127 : vector<16xf32>
      %mul3A_147 = arith.mulf %exp3A_107, %div3A_130 : vector<16xf32>
      %add3A_148 = arith.addf %mul3A_146, %mul3A_147 : vector<16xf32>
      %mul3A_149 = arith.mulf %exp3A_93, %div3A_127 : vector<16xf32>
      %mul3A_150 = arith.mulf %exp3A_109, %div3A_130 : vector<16xf32>
      %add3A_151 = arith.addf %mul3A_149, %mul3A_150 : vector<16xf32>
      %mul3A_152 = arith.mulf %exp3A_95, %div3A_127 : vector<16xf32>
      %mul3A_153 = arith.mulf %exp3A_111, %div3A_130 : vector<16xf32>
      %add3A_154 = arith.addf %mul3A_152, %mul3A_153 : vector<16xf32>
      %mul3A_155 = arith.constant 16 : i32
      %mul3A_156 = arith.muli %scan3A_18, %mul3A_155 : i32
      %get3A = arith.index_cast %mul3A_156 : i32 to index
      %get3A_157 = tpu.vector_load %arg11[%get3A] {strides = array<i32>} : memref<640xi32, #tpu.memory_space<vmem>>, vector<16xi32>,
      %mul3A_158 = arith.constant 521 : i32
      %mul3A_159 = vector.broadcast %mul3A_158 : i32 to vector<16xi32>
      %mul3A_160 = arith.muli %get3A_157, %mul3A_159 : vector<16xi32>
      %parallel_loop3A = arith.constant 0 : i32
      %parallel_loop3A_161 = arith.constant 64 : i32
      %parallel_loop3A_162 = arith.constant 1 : i32
      scf.for %parallel_loop3A_163 = %parallel_loop3A to %parallel_loop3A_161 step %parallel_loop3A_162  : i32 {
        %parallel_loop3A_164 = vector.broadcast %parallel_loop3A_163 : i32 to vector<16xi32>
        %parallel_loop3A_165 = arith.constant 0.000000e+00 : f32
        %parallel_loop3A_166 = vector.broadcast %parallel_loop3A_165 : f32 to vector<16xf32>
        %parallel_loop3A_167 = arith.constant 0 : i32
        %parallel_loop3A_168 = vector.broadcast %parallel_loop3A_167 : i32 to vector<16xi32>
        %parallel_loop3A_169 = arith.addi %mul3A_160, %parallel_loop3A_168 : vector<16xi32>
        %parallel_loop3A_170 = arith.addi %parallel_loop3A_169, %parallel_loop3A_164 : vector<16xi32>
        %parallel_loop3A_171 = tpu.vector_load_idx %arg14[%parallel_loop3A_170] : memref<33344xf32, #tpu.memory_space<vmem>>[vector<16xi32>], vector<16xf32>,
        %parallel_loop3A_172 = arith.mulf %add3A_133, %parallel_loop3A_171 : vector<16xf32>
        %parallel_loop3A_173 = arith.addf %parallel_loop3A_166, %parallel_loop3A_172 : vector<16xf32>
        %parallel_loop3A_174 = arith.constant 65 : i32
        %parallel_loop3A_175 = vector.broadcast %parallel_loop3A_174 : i32 to vector<16xi32>
        %parallel_loop3A_176 = arith.addi %mul3A_160, %parallel_loop3A_175 : vector<16xi32>
        %parallel_loop3A_177 = arith.addi %parallel_loop3A_176, %parallel_loop3A_164 : vector<16xi32>
        %parallel_loop3A_178 = tpu.vector_load_idx %arg14[%parallel_loop3A_177] : memref<33344xf32, #tpu.memory_space<vmem>>[vector<16xi32>], vector<16xf32>,
        %parallel_loop3A_179 = arith.mulf %add3A_136, %parallel_loop3A_178 : vector<16xf32>
        %parallel_loop3A_180 = arith.addf %parallel_loop3A_173, %parallel_loop3A_179 : vector<16xf32>
        %parallel_loop3A_181 = arith.constant 130 : i32
        %parallel_loop3A_182 = vector.broadcast %parallel_loop3A_181 : i32 to vector<16xi32>
        %parallel_loop3A_183 = arith.addi %mul3A_160, %parallel_loop3A_182 : vector<16xi32>
        %parallel_loop3A_184 = arith.addi %parallel_loop3A_183, %parallel_loop3A_164 : vector<16xi32>
        %parallel_loop3A_185 = tpu.vector_load_idx %arg14[%parallel_loop3A_184] : memref<33344xf32, #tpu.memory_space<vmem>>[vector<16xi32>], vector<16xf32>,
        %parallel_loop3A_186 = arith.mulf %add3A_139, %parallel_loop3A_185 : vector<16xf32>
        %parallel_loop3A_187 = arith.addf %parallel_loop3A_180, %parallel_loop3A_186 : vector<16xf32>
        %parallel_loop3A_188 = arith.constant 195 : i32
        %parallel_loop3A_189 = vector.broadcast %parallel_loop3A_188 : i32 to vector<16xi32>
        %parallel_loop3A_190 = arith.addi %mul3A_160, %parallel_loop3A_189 : vector<16xi32>
        %parallel_loop3A_191 = arith.addi %parallel_loop3A_190, %parallel_loop3A_164 : vector<16xi32>
        %parallel_loop3A_192 = tpu.vector_load_idx %arg14[%parallel_loop3A_191] : memref<33344xf32, #tpu.memory_space<vmem>>[vector<16xi32>], vector<16xf32>,
        %parallel_loop3A_193 = arith.mulf %add3A_142, %parallel_loop3A_192 : vector<16xf32>
        %parallel_loop3A_194 = arith.addf %parallel_loop3A_187, %parallel_loop3A_193 : vector<16xf32>
        %parallel_loop3A_195 = arith.constant 260 : i32
        %parallel_loop3A_196 = vector.broadcast %parallel_loop3A_195 : i32 to vector<16xi32>
        %parallel_loop3A_197 = arith.addi %mul3A_160, %parallel_loop3A_196 : vector<16xi32>
        %parallel_loop3A_198 = arith.addi %parallel_loop3A_197, %parallel_loop3A_164 : vector<16xi32>
        %parallel_loop3A_199 = tpu.vector_load_idx %arg14[%parallel_loop3A_198] : memref<33344xf32, #tpu.memory_space<vmem>>[vector<16xi32>], vector<16xf32>,
        %parallel_loop3A_200 = arith.mulf %add3A_145, %parallel_loop3A_199 : vector<16xf32>
        %parallel_loop3A_201 = arith.addf %parallel_loop3A_194, %parallel_loop3A_200 : vector<16xf32>
        %parallel_loop3A_202 = arith.constant 325 : i32
        %parallel_loop3A_203 = vector.broadcast %parallel_loop3A_202 : i32 to vector<16xi32>
        %parallel_loop3A_204 = arith.addi %mul3A_160, %parallel_loop3A_203 : vector<16xi32>
        %parallel_loop3A_205 = arith.addi %parallel_loop3A_204, %parallel_loop3A_164 : vector<16xi32>
        %parallel_loop3A_206 = tpu.vector_load_idx %arg14[%parallel_loop3A_205] : memref<33344xf32, #tpu.memory_space<vmem>>[vector<16xi32>], vector<16xf32>,
        %parallel_loop3A_207 = arith.mulf %add3A_148, %parallel_loop3A_206 : vector<16xf32>
        %parallel_loop3A_208 = arith.addf %parallel_loop3A_201, %parallel_loop3A_207 : vector<16xf32>
        %parallel_loop3A_209 = arith.constant 390 : i32
        %parallel_loop3A_210 = vector.broadcast %parallel_loop3A_209 : i32 to vector<16xi32>
        %parallel_loop3A_211 = arith.addi %mul3A_160, %parallel_loop3A_210 : vector<16xi32>
        %parallel_loop3A_212 = arith.addi %parallel_loop3A_211, %parallel_loop3A_164 : vector<16xi32>
        %parallel_loop3A_213 = tpu.vector_load_idx %arg14[%parallel_loop3A_212] : memref<33344xf32, #tpu.memory_space<vmem>>[vector<16xi32>], vector<16xf32>,
        %parallel_loop3A_214 = arith.mulf %add3A_151, %parallel_loop3A_213 : vector<16xf32>
        %parallel_loop3A_215 = arith.addf %parallel_loop3A_208, %parallel_loop3A_214 : vector<16xf32>
        %parallel_loop3A_216 = arith.constant 455 : i32
        %parallel_loop3A_217 = vector.broadcast %parallel_loop3A_216 : i32 to vector<16xi32>
        %parallel_loop3A_218 = arith.addi %mul3A_160, %parallel_loop3A_217 : vector<16xi32>
        %parallel_loop3A_219 = arith.addi %parallel_loop3A_218, %parallel_loop3A_164 : vector<16xi32>
        %parallel_loop3A_220 = tpu.vector_load_idx %arg14[%parallel_loop3A_219] : memref<33344xf32, #tpu.memory_space<vmem>>[vector<16xi32>], vector<16xf32>,
        %parallel_loop3A_221 = arith.mulf %add3A_154, %parallel_loop3A_220 : vector<16xf32>
        %parallel_loop3A_222 = arith.addf %parallel_loop3A_215, %parallel_loop3A_221 : vector<16xf32>
        tpu.vector_store_idx %arg15[%add3A_22, %parallel_loop3A_164], %parallel_loop3A_222 : memref<640x65xf32, #tpu.memory_space<vmem>>[vector<16xi32>, vector<16xi32>], vector<16xf32>,
      } {sc.loop_unroll_factor = 4 : i64, sc.parallel_access}
    }
    %scan3A_17 = arith.constant 40 : i32
    "tpu.region"() ({
      %run_scoped3A = tpu.sem_alloc : memref<!tpu.dma_semaphore, #tpu.memory_space<semaphore_mem>>
      %dma_start3A_18 = arith.constant 0 : i32
      %dma_start3A_19 = arith.constant 0 : i32
      %dma_start3A_20 = tpu.memref_slice %arg15[%dma_start3A_18, %dma_start3A_19] : memref<640x65xf32, #tpu.memory_space<vmem>> -> memref<640x64xf32, #tpu.memory_space<vmem>>
      %dma_start3A_21 = arith.constant 0 : i32
      %dma_start3A_22 = tpu.memref_slice %arg8[%mul3A_2, %dma_start3A_21] : memref<20480x64xf32, #tpu.memory_space<hbm>> -> memref<640x64xf32, #tpu.memory_space<hbm>>
      %dma_start3A_23 = arith.constant 0 : i32
      %dma_start3A_24 = tpu.memref_slice %arg8[%mul3A_2, %dma_start3A_23] : memref<20480x64xf32, #tpu.memory_space<hbm>> -> memref<640x64xf32, #tpu.memory_space<hbm>>
      %dma_start3A_25 = arith.constant 0 : i32
      %dma_start3A_26 = arith.constant 0 : i32
      %dma_start3A_27 = tpu.memref_slice %arg15[%dma_start3A_25, %dma_start3A_26] : memref<640x65xf32, #tpu.memory_space<vmem>> -> memref<640x64xf32, #tpu.memory_space<vmem>>
      tpu.enqueue_dma source(%dma_start3A_27 : memref<640x64xf32, #tpu.memory_space<vmem>>) target(%dma_start3A_24 : memref<640x64xf32, #tpu.memory_space<hbm>>) target_semaphore(%run_scoped3A : memref<!tpu.dma_semaphore, #tpu.memory_space<semaphore_mem>>)
      %dma_wait3A_28 = arith.constant 0 : i32
      %dma_wait3A_29 = arith.constant 0 : i32
      %dma_wait3A_30 = tpu.memref_slice %arg15[%dma_wait3A_28, %dma_wait3A_29] : memref<640x65xf32, #tpu.memory_space<vmem>> -> memref<640x64xf32, #tpu.memory_space<vmem>>
      %dma_wait3A_31 = arith.constant 0 : i32
      %dma_wait3A_32 = tpu.memref_slice %arg8[%mul3A_2, %dma_wait3A_31] : memref<20480x64xf32, #tpu.memory_space<hbm>> -> memref<640x64xf32, #tpu.memory_space<hbm>>
      %dma_wait3A_33 = arith.constant 0 : i32
      %dma_wait3A_34 = tpu.memref_slice %arg8[%mul3A_2, %dma_wait3A_33] : memref<20480x64xf32, #tpu.memory_space<hbm>> -> memref<640x64xf32, #tpu.memory_space<hbm>>
      %dma_wait3A_35 = arith.constant 0 : i32
      %dma_wait3A_36 = arith.constant 0 : i32
      %dma_wait3A_37 = tpu.memref_slice %arg15[%dma_wait3A_35, %dma_wait3A_36] : memref<640x65xf32, #tpu.memory_space<vmem>> -> memref<640x64xf32, #tpu.memory_space<vmem>>
      tpu.wait_dma2 semaphore(%run_scoped3A : memref<!tpu.dma_semaphore, #tpu.memory_space<semaphore_mem>>) src(%dma_wait3A_37 : memref<640x64xf32, #tpu.memory_space<vmem>>) dst(%dma_wait3A_34 : memref<640x64xf32, #tpu.memory_space<hbm>>)
      tpu.yield
    }) : () -> ()
    return
  }
}

#map = affine_map<(d0, d1) -> (0)>
#map1 = affine_map<(d0, d1) -> (0, 0)>
module attributes {stable_mosaic.version = 14 : i64} {
  func.func @_gather_embeds(%arg0: i32, %arg1: i32, %arg2: memref<1024xi32, #tpu.memory_space<hbm>>, %arg3: memref<20480xi32, #tpu.memory_space<hbm>>, %arg4: memref<100000x64xf32, #tpu.memory_space<hbm>>, %arg5: memref<4096x64xf32, #tpu.memory_space<hbm>>, %arg6: memref<1024x64xf32, #tpu.memory_space<hbm>>, %arg7: memref<20480x64xf32, #tpu.memory_space<hbm>>, %arg8: memref<32xi32, #tpu.memory_space<vmem>>, %arg9: memref<32x64xf32, #tpu.memory_space<vmem>>, %arg10: memref<640xi32, #tpu.memory_space<vmem>>, %arg11: memref<640x64xf32, #tpu.memory_space<vmem>>, %arg12: memref<!tpu.dma_semaphore, #tpu.memory_space<semaphore_mem>>) attributes {dimension_semantics = [#tpu.dimension_semantics<core_parallel>, #tpu.dimension_semantics<subcore_parallel>], iteration_bounds = array<i64: 2, 16>, scalar_prefetch = 0 : i64, scratch_operands = 5 : i64, tpu.core_type = #tpu.core_type<sc_vector_subcore>, window_params = [{transform_indices = #map}, {transform_indices = #map}, {transform_indices = #map1}, {transform_indices = #map1}, {transform_indices = #map1}, {transform_indices = #map1}]} {
    %mul3A = arith.constant 2 : i32
    %mul3A_0 = arith.muli %arg1, %mul3A : i32
    %add3A = arith.addi %mul3A_0, %arg0 : i32
    %mul3A_1 = arith.constant 32 : i32
    %mul3A_2 = arith.muli %add3A, %mul3A_1 : i32
    %mul3A_3 = arith.constant 640 : i32
    %mul3A_4 = arith.muli %add3A, %mul3A_3 : i32
    "tpu.region"() ({
      %run_scoped3A = tpu.sem_alloc : memref<!tpu.dma_semaphore, #tpu.memory_space<semaphore_mem>>
      %dma_start3A_15 = tpu.memref_slice %arg2[%mul3A_2] : memref<1024xi32, #tpu.memory_space<hbm>> -> memref<32xi32, #tpu.memory_space<hbm>>
      %dma_start3A_16 = tpu.memref_slice %arg2[%mul3A_2] : memref<1024xi32, #tpu.memory_space<hbm>> -> memref<32xi32, #tpu.memory_space<hbm>>
      tpu.enqueue_dma source(%dma_start3A_16 : memref<32xi32, #tpu.memory_space<hbm>>) target(%arg8 : memref<32xi32, #tpu.memory_space<vmem>>) target_semaphore(%run_scoped3A : memref<!tpu.dma_semaphore, #tpu.memory_space<semaphore_mem>>)
      %dma_wait3A_17 = tpu.memref_slice %arg2[%mul3A_2] : memref<1024xi32, #tpu.memory_space<hbm>> -> memref<32xi32, #tpu.memory_space<hbm>>
      %dma_wait3A_18 = tpu.memref_slice %arg2[%mul3A_2] : memref<1024xi32, #tpu.memory_space<hbm>> -> memref<32xi32, #tpu.memory_space<hbm>>
      tpu.wait_dma2 semaphore(%run_scoped3A : memref<!tpu.dma_semaphore, #tpu.memory_space<semaphore_mem>>) src(%dma_wait3A_18 : memref<32xi32, #tpu.memory_space<hbm>>) dst(%arg8 : memref<32xi32, #tpu.memory_space<vmem>>)
      tpu.yield
    }) : () -> ()
    %dma_start3A = arith.constant 0 : i32
    %dma_start3A_5 = arith.constant 0 : i32
    %dma_start3A_6 = tpu.memref_slice %arg4[%dma_start3A, %dma_start3A_5] : memref<100000x64xf32, #tpu.memory_space<hbm>> -> memref<100000x64xf32, #tpu.memory_space<hbm>>
    tpu.enqueue_indirect_dma source(%dma_start3A_6 : memref<100000x64xf32, #tpu.memory_space<hbm>>) target(%arg9 : memref<32x64xf32, #tpu.memory_space<vmem>>) offsets(%arg8 : memref<32xi32, #tpu.memory_space<vmem>>) semaphore(%arg12 : memref<!tpu.dma_semaphore, #tpu.memory_space<semaphore_mem>>)
    "tpu.region"() ({
      %run_scoped3A = tpu.sem_alloc : memref<!tpu.dma_semaphore, #tpu.memory_space<semaphore_mem>>
      %dma_start3A_15 = tpu.memref_slice %arg3[%mul3A_4] : memref<20480xi32, #tpu.memory_space<hbm>> -> memref<640xi32, #tpu.memory_space<hbm>>
      %dma_start3A_16 = tpu.memref_slice %arg3[%mul3A_4] : memref<20480xi32, #tpu.memory_space<hbm>> -> memref<640xi32, #tpu.memory_space<hbm>>
      tpu.enqueue_dma source(%dma_start3A_16 : memref<640xi32, #tpu.memory_space<hbm>>) target(%arg10 : memref<640xi32, #tpu.memory_space<vmem>>) target_semaphore(%run_scoped3A : memref<!tpu.dma_semaphore, #tpu.memory_space<semaphore_mem>>)
      %dma_wait3A_17 = tpu.memref_slice %arg3[%mul3A_4] : memref<20480xi32, #tpu.memory_space<hbm>> -> memref<640xi32, #tpu.memory_space<hbm>>
      %dma_wait3A_18 = tpu.memref_slice %arg3[%mul3A_4] : memref<20480xi32, #tpu.memory_space<hbm>> -> memref<640xi32, #tpu.memory_space<hbm>>
      tpu.wait_dma2 semaphore(%run_scoped3A : memref<!tpu.dma_semaphore, #tpu.memory_space<semaphore_mem>>) src(%dma_wait3A_18 : memref<640xi32, #tpu.memory_space<hbm>>) dst(%arg10 : memref<640xi32, #tpu.memory_space<vmem>>)
      tpu.yield
    }) : () -> ()
    %dma_start3A_7 = arith.constant 0 : i32
    %dma_start3A_8 = arith.constant 0 : i32
    %dma_start3A_9 = tpu.memref_slice %arg5[%dma_start3A_7, %dma_start3A_8] : memref<4096x64xf32, #tpu.memory_space<hbm>> -> memref<4096x64xf32, #tpu.memory_space<hbm>>
    tpu.enqueue_indirect_dma source(%dma_start3A_9 : memref<4096x64xf32, #tpu.memory_space<hbm>>) target(%arg11 : memref<640x64xf32, #tpu.memory_space<vmem>>) offsets(%arg10 : memref<640xi32, #tpu.memory_space<vmem>>) semaphore(%arg12 : memref<!tpu.dma_semaphore, #tpu.memory_space<semaphore_mem>>)
    %dma_wait3A = arith.constant 0 : i32
    %dma_wait3A_10 = arith.constant 0 : i32
    %dma_wait3A_11 = tpu.memref_slice %arg4[%dma_wait3A, %dma_wait3A_10] : memref<100000x64xf32, #tpu.memory_space<hbm>> -> memref<100000x64xf32, #tpu.memory_space<hbm>>
    tpu.wait_indirect_dma semaphore(%arg12 : memref<!tpu.dma_semaphore, #tpu.memory_space<semaphore_mem>>) src(%dma_wait3A_11 : memref<100000x64xf32, #tpu.memory_space<hbm>>) dst(%arg9 : memref<32x64xf32, #tpu.memory_space<vmem>>)
    "tpu.region"() ({
      %run_scoped3A = tpu.sem_alloc : memref<!tpu.dma_semaphore, #tpu.memory_space<semaphore_mem>>
      %dma_start3A_15 = arith.constant 0 : i32
      %dma_start3A_16 = tpu.memref_slice %arg6[%mul3A_2, %dma_start3A_15] : memref<1024x64xf32, #tpu.memory_space<hbm>> -> memref<32x64xf32, #tpu.memory_space<hbm>>
      %dma_start3A_17 = arith.constant 0 : i32
      %dma_start3A_18 = tpu.memref_slice %arg6[%mul3A_2, %dma_start3A_17] : memref<1024x64xf32, #tpu.memory_space<hbm>> -> memref<32x64xf32, #tpu.memory_space<hbm>>
      tpu.enqueue_dma source(%arg9 : memref<32x64xf32, #tpu.memory_space<vmem>>) target(%dma_start3A_18 : memref<32x64xf32, #tpu.memory_space<hbm>>) target_semaphore(%run_scoped3A : memref<!tpu.dma_semaphore, #tpu.memory_space<semaphore_mem>>)
      %dma_wait3A_19 = arith.constant 0 : i32
      %dma_wait3A_20 = tpu.memref_slice %arg6[%mul3A_2, %dma_wait3A_19] : memref<1024x64xf32, #tpu.memory_space<hbm>> -> memref<32x64xf32, #tpu.memory_space<hbm>>
      %dma_wait3A_21 = arith.constant 0 : i32
      %dma_wait3A_22 = tpu.memref_slice %arg6[%mul3A_2, %dma_wait3A_21] : memref<1024x64xf32, #tpu.memory_space<hbm>> -> memref<32x64xf32, #tpu.memory_space<hbm>>
      tpu.wait_dma2 semaphore(%run_scoped3A : memref<!tpu.dma_semaphore, #tpu.memory_space<semaphore_mem>>) src(%arg9 : memref<32x64xf32, #tpu.memory_space<vmem>>) dst(%dma_wait3A_22 : memref<32x64xf32, #tpu.memory_space<hbm>>)
      tpu.yield
    }) : () -> ()
    %dma_wait3A_12 = arith.constant 0 : i32
    %dma_wait3A_13 = arith.constant 0 : i32
    %dma_wait3A_14 = tpu.memref_slice %arg5[%dma_wait3A_12, %dma_wait3A_13] : memref<4096x64xf32, #tpu.memory_space<hbm>> -> memref<4096x64xf32, #tpu.memory_space<hbm>>
    tpu.wait_indirect_dma semaphore(%arg12 : memref<!tpu.dma_semaphore, #tpu.memory_space<semaphore_mem>>) src(%dma_wait3A_14 : memref<4096x64xf32, #tpu.memory_space<hbm>>) dst(%arg11 : memref<640x64xf32, #tpu.memory_space<vmem>>)
    "tpu.region"() ({
      %run_scoped3A = tpu.sem_alloc : memref<!tpu.dma_semaphore, #tpu.memory_space<semaphore_mem>>
      %dma_start3A_15 = arith.constant 0 : i32
      %dma_start3A_16 = tpu.memref_slice %arg7[%mul3A_4, %dma_start3A_15] : memref<20480x64xf32, #tpu.memory_space<hbm>> -> memref<640x64xf32, #tpu.memory_space<hbm>>
      %dma_start3A_17 = arith.constant 0 : i32
      %dma_start3A_18 = tpu.memref_slice %arg7[%mul3A_4, %dma_start3A_17] : memref<20480x64xf32, #tpu.memory_space<hbm>> -> memref<640x64xf32, #tpu.memory_space<hbm>>
      tpu.enqueue_dma source(%arg11 : memref<640x64xf32, #tpu.memory_space<vmem>>) target(%dma_start3A_18 : memref<640x64xf32, #tpu.memory_space<hbm>>) target_semaphore(%run_scoped3A : memref<!tpu.dma_semaphore, #tpu.memory_space<semaphore_mem>>)
      %dma_wait3A_19 = arith.constant 0 : i32
      %dma_wait3A_20 = tpu.memref_slice %arg7[%mul3A_4, %dma_wait3A_19] : memref<20480x64xf32, #tpu.memory_space<hbm>> -> memref<640x64xf32, #tpu.memory_space<hbm>>
      %dma_wait3A_21 = arith.constant 0 : i32
      %dma_wait3A_22 = tpu.memref_slice %arg7[%mul3A_4, %dma_wait3A_21] : memref<20480x64xf32, #tpu.memory_space<hbm>> -> memref<640x64xf32, #tpu.memory_space<hbm>>
      tpu.wait_dma2 semaphore(%run_scoped3A : memref<!tpu.dma_semaphore, #tpu.memory_space<semaphore_mem>>) src(%arg11 : memref<640x64xf32, #tpu.memory_space<vmem>>) dst(%dma_wait3A_22 : memref<640x64xf32, #tpu.memory_space<hbm>>)
      tpu.yield
    }) : () -> ()
    return
  }
}

module attributes {stable_mosaic.version = 14 : i64} {
  func.func @_b2_body(%arg0: i32, %arg1: memref<512x64xf32, #tpu.memory_space<vmem>>, %arg2: memref<64x64xf32, #tpu.memory_space<vmem>>, %arg3: memref<512x64xf32, #tpu.memory_space<vmem>>, %arg4: memref<64x64xf32, #tpu.memory_space<vmem>>, %arg5: memref<64x64xf32, #tpu.memory_space<vmem>>, %arg6: memref<64x64xf32, #tpu.memory_space<vmem>>, %arg7: memref<64x32x128xf32, #tpu.memory_space<vmem>>, %arg8: memref<512x64xf32, #tpu.memory_space<vmem>>, %arg9: memref<64x512xf32, #tpu.memory_space<vmem>>) attributes {dimension_semantics = [#tpu.dimension_semantics<arbitrary>], iteration_bounds = array<i64: 8>, scalar_prefetch = 0 : i64, scratch_operands = 0 : i64, tpu.core_type = #tpu.core_type<tc>, window_params = [{transform_indices = @transform_0, window_bounds = array<i64: 512, 64>}, {pipeline_mode = #tpu.pipeline_mode<synchronous>, transform_indices = @transform_1, window_bounds = array<i64: 64, 64>}, {pipeline_mode = #tpu.pipeline_mode<synchronous>, transform_indices = @transform_2, window_bounds = array<i64: 512, 64>}, {pipeline_mode = #tpu.pipeline_mode<synchronous>, transform_indices = @transform_3, window_bounds = array<i64: 64, 64>}, {pipeline_mode = #tpu.pipeline_mode<synchronous>, transform_indices = @transform_4, window_bounds = array<i64: 64, 64>}, {pipeline_mode = #tpu.pipeline_mode<synchronous>, transform_indices = @transform_5, window_bounds = array<i64: 64, 64>}, {transform_indices = @transform_6, window_bounds = array<i64: 64, 32, 128>}, {pipeline_mode = #tpu.pipeline_mode<synchronous>, transform_indices = @transform_7, window_bounds = array<i64: 512, 64>}, {pipeline_mode = #tpu.pipeline_mode<synchronous>, transform_indices = @transform_8, window_bounds = array<i64: 64, 512>}]} {
    %get3A = arith.constant 0 : index
    %get3A_0 = arith.constant 0 : index
    %get3A_1 = vector.load %arg1[%get3A, %get3A_0] : memref<512x64xf32, #tpu.memory_space<vmem>>, vector<512x64xf32>
    %get3A_2 = arith.constant 0 : index
    %get3A_3 = arith.constant 0 : index
    %get3A_4 = vector.load %arg2[%get3A_2, %get3A_3] : memref<64x64xf32, #tpu.memory_space<vmem>>, vector<64x64xf32>
    %dot_general3A = arith.constant dense<0.000000e+00> : vector<512x64xf32>
    %dot_general3A_5 = tpu.matmul %get3A_1, %get3A_4, %dot_general3A {dimension_numbers = #tpu.dot_dimension_numbers<[1], [0], [0], [1], [0, 0, 1, 1], [], []>, transpose_lhs_hint = false} : vector<512x64xf32>, vector<64x64xf32>, vector<512x64xf32> -> vector<512x64xf32>
    %get3A_6 = arith.constant 0 : index
    %get3A_7 = arith.constant 0 : index
    %get3A_8 = vector.load %arg3[%get3A_6, %get3A_7] : memref<512x64xf32, #tpu.memory_space<vmem>>, vector<512x64xf32>
    %get3A_9 = arith.constant 0 : index
    %get3A_10 = arith.constant 0 : index
    %get3A_11 = vector.load %arg4[%get3A_9, %get3A_10] : memref<64x64xf32, #tpu.memory_space<vmem>>, vector<64x64xf32>
    %dot_general3A_12 = arith.constant dense<0.000000e+00> : vector<512x64xf32>
    %dot_general3A_13 = tpu.matmul %get3A_8, %get3A_11, %dot_general3A_12 {dimension_numbers = #tpu.dot_dimension_numbers<[1], [0], [0], [1], [0, 0, 1, 1], [], []>, transpose_lhs_hint = false} : vector<512x64xf32>, vector<64x64xf32>, vector<512x64xf32> -> vector<512x64xf32>
    %dot_general3A_14 = arith.constant dense<0.000000e+00> : vector<512x512xf32>
    %dot_general3A_15 = tpu.matmul %dot_general3A_5, %dot_general3A_13, %dot_general3A_14 {dimension_numbers = #tpu.dot_dimension_numbers<[1], [1], [0], [0], [0, 0, 1, 0], [], []>, transpose_lhs_hint = false} : vector<512x64xf32>, vector<512x64xf32>, vector<512x512xf32> -> vector<512x512xf32>
    %mul3A = arith.constant 1.250000e-01 : f32
    %mul3A_16 = vector.broadcast %mul3A : f32 to vector<512x512xf32>
    %mul3A_17 = arith.mulf %dot_general3A_15, %mul3A_16 : vector<512x512xf32>
    %slice3A = vector.extract_strided_slice %mul3A_17 {offsets = [0, 0], sizes = [512, 128], strides = [1, 1]} : vector<512x512xf32> to vector<512x128xf32>
    %reshape3A = vector.shape_cast %slice3A : vector<512x128xf32> to vector<64x8x128xf32>
    %swap3A = arith.constant 0 : index
    %swap3A_18 = arith.constant 0 : index
    %swap3A_19 = arith.constant 0 : index
    %swap3A_20 = vector.load %arg7[%swap3A, %swap3A_18, %swap3A_19] : memref<64x32x128xf32, #tpu.memory_space<vmem>>, vector<64x8x128xf32>
    tpu.vector_store %arg7[%swap3A, %swap3A_18, %swap3A_19], %reshape3A {strides = array<i32>} : memref<64x32x128xf32, #tpu.memory_space<vmem>>, vector<64x8x128xf32>,
    %slice3A_21 = vector.extract_strided_slice %mul3A_17 {offsets = [0, 128], sizes = [512, 128], strides = [1, 1]} : vector<512x512xf32> to vector<512x128xf32>
    %reshape3A_22 = vector.shape_cast %slice3A_21 : vector<512x128xf32> to vector<64x8x128xf32>
    %swap3A_23 = arith.constant 0 : index
    %swap3A_24 = arith.constant 8 : index
    %swap3A_25 = arith.constant 0 : index
    %swap3A_26 = vector.load %arg7[%swap3A_23, %swap3A_24, %swap3A_25] : memref<64x32x128xf32, #tpu.memory_space<vmem>>, vector<64x8x128xf32>
    tpu.vector_store %arg7[%swap3A_23, %swap3A_24, %swap3A_25], %reshape3A_22 {strides = array<i32>} : memref<64x32x128xf32, #tpu.memory_space<vmem>>, vector<64x8x128xf32>,
    %slice3A_27 = vector.extract_strided_slice %mul3A_17 {offsets = [0, 256], sizes = [512, 128], strides = [1, 1]} : vector<512x512xf32> to vector<512x128xf32>
    %reshape3A_28 = vector.shape_cast %slice3A_27 : vector<512x128xf32> to vector<64x8x128xf32>
    %swap3A_29 = arith.constant 0 : index
    %swap3A_30 = arith.constant 16 : index
    %swap3A_31 = arith.constant 0 : index
    %swap3A_32 = vector.load %arg7[%swap3A_29, %swap3A_30, %swap3A_31] : memref<64x32x128xf32, #tpu.memory_space<vmem>>, vector<64x8x128xf32>
    tpu.vector_store %arg7[%swap3A_29, %swap3A_30, %swap3A_31], %reshape3A_28 {strides = array<i32>} : memref<64x32x128xf32, #tpu.memory_space<vmem>>, vector<64x8x128xf32>,
    %slice3A_33 = vector.extract_strided_slice %mul3A_17 {offsets = [0, 384], sizes = [512, 128], strides = [1, 1]} : vector<512x512xf32> to vector<512x128xf32>
    %reshape3A_34 = vector.shape_cast %slice3A_33 : vector<512x128xf32> to vector<64x8x128xf32>
    %swap3A_35 = arith.constant 0 : index
    %swap3A_36 = arith.constant 24 : index
    %swap3A_37 = arith.constant 0 : index
    %swap3A_38 = vector.load %arg7[%swap3A_35, %swap3A_36, %swap3A_37] : memref<64x32x128xf32, #tpu.memory_space<vmem>>, vector<64x8x128xf32>
    tpu.vector_store %arg7[%swap3A_35, %swap3A_36, %swap3A_37], %reshape3A_34 {strides = array<i32>} : memref<64x32x128xf32, #tpu.memory_space<vmem>>, vector<64x8x128xf32>,
    %eq3A = arith.constant 0 : i32
    %eq3A_39 = arith.cmpi eq, %arg0, %eq3A : i32
    %convert_element_type3A = arith.extui %eq3A_39 : i1 to i32
    %cond3A = arith.constant 0 : i32
    %cond3A_40 = arith.cmpi ne, %convert_element_type3A, %cond3A : i32
    scf.if %cond3A_40 {
      %get3A_41 = arith.constant 0 : index
      %get3A_42 = arith.constant 0 : index
      %get3A_43 = vector.load %arg3[%get3A_41, %get3A_42] : memref<512x64xf32, #tpu.memory_space<vmem>>, vector<512x64xf32>
      %get3A_44 = arith.constant 0 : index
      %get3A_45 = arith.constant 0 : index
      %get3A_46 = vector.load %arg5[%get3A_44, %get3A_45] : memref<64x64xf32, #tpu.memory_space<vmem>>, vector<64x64xf32>
      %dot_general3A_47 = arith.constant dense<0.000000e+00> : vector<512x64xf32>
      %dot_general3A_48 = tpu.matmul %get3A_43, %get3A_46, %dot_general3A_47 {dimension_numbers = #tpu.dot_dimension_numbers<[1], [0], [0], [1], [0, 0, 1, 1], [], []>, transpose_lhs_hint = false} : vector<512x64xf32>, vector<64x64xf32>, vector<512x64xf32> -> vector<512x64xf32>
      %get3A_49 = arith.constant 0 : index
      %get3A_50 = arith.constant 0 : index
      %get3A_51 = vector.load %arg6[%get3A_49, %get3A_50] : memref<64x64xf32, #tpu.memory_space<vmem>>, vector<64x64xf32>
      %dot_general3A_52 = arith.constant dense<0.000000e+00> : vector<512x64xf32>
      %dot_general3A_53 = tpu.matmul %dot_general3A_48, %get3A_51, %dot_general3A_52 {dimension_numbers = #tpu.dot_dimension_numbers<[1], [0], [0], [1], [0, 0, 1, 1], [], []>, transpose_lhs_hint = false} : vector<512x64xf32>, vector<64x64xf32>, vector<512x64xf32> -> vector<512x64xf32>
      %swap3A_54 = arith.constant 0 : index
      %swap3A_55 = arith.constant 0 : index
      %swap3A_56 = vector.load %arg8[%swap3A_54, %swap3A_55] : memref<512x64xf32, #tpu.memory_space<vmem>>, vector<512x64xf32>
      tpu.vector_store %arg8[%swap3A_54, %swap3A_55], %dot_general3A_53 {strides = array<i32>} : memref<512x64xf32, #tpu.memory_space<vmem>>, vector<512x64xf32>,
      %get3A_57 = arith.constant 0 : index
      %get3A_58 = arith.constant 0 : index
      %get3A_59 = vector.load %arg2[%get3A_57, %get3A_58] : memref<64x64xf32, #tpu.memory_space<vmem>>, vector<64x64xf32>
      %dot_general3A_60 = arith.constant dense<0.000000e+00> : vector<64x512xf32>
      %dot_general3A_61 = tpu.matmul %get3A_59, %dot_general3A_13, %dot_general3A_60 {dimension_numbers = #tpu.dot_dimension_numbers<[1], [1], [0], [0], [0, 0, 1, 0], [], []>, transpose_lhs_hint = false} : vector<64x64xf32>, vector<512x64xf32>, vector<64x512xf32> -> vector<64x512xf32>
      %mul3A_62 = arith.constant 1.250000e-01 : f32
      %mul3A_63 = vector.broadcast %mul3A_62 : f32 to vector<64x512xf32>
      %mul3A_64 = arith.mulf %dot_general3A_61, %mul3A_63 : vector<64x512xf32>
      %swap3A_65 = arith.constant 0 : index
      %swap3A_66 = arith.constant 0 : index
      %swap3A_67 = vector.load %arg9[%swap3A_65, %swap3A_66] : memref<64x512xf32, #tpu.memory_space<vmem>>, vector<64x512xf32>
      tpu.vector_store %arg9[%swap3A_65, %swap3A_66], %mul3A_64 {strides = array<i32>} : memref<64x512xf32, #tpu.memory_space<vmem>>, vector<64x512xf32>,
    } else {
    }
    return
  }
  func.func @transform_0(%arg0: i32) -> (i32, i32) {
    %c0_i32 = arith.constant 0 : i32
    %c0_i32_0 = arith.constant 0 : i32
    return %arg0, %c0_i32 : i32, i32
  }
  func.func @transform_1(%arg0: i32) -> (i32, i32) {
    %c0_i32 = arith.constant 0 : i32
    %c0_i32_0 = arith.constant 0 : i32
    %c0_i32_1 = arith.constant 0 : i32
    return %c0_i32, %c0_i32_0 : i32, i32
  }
  func.func @transform_2(%arg0: i32) -> (i32, i32) {
    %c0_i32 = arith.constant 0 : i32
    %c0_i32_0 = arith.constant 0 : i32
    %c0_i32_1 = arith.constant 0 : i32
    return %c0_i32, %c0_i32_0 : i32, i32
  }
  func.func @transform_3(%arg0: i32) -> (i32, i32) {
    %c0_i32 = arith.constant 0 : i32
    %c0_i32_0 = arith.constant 0 : i32
    %c0_i32_1 = arith.constant 0 : i32
    return %c0_i32, %c0_i32_0 : i32, i32
  }
  func.func @transform_4(%arg0: i32) -> (i32, i32) {
    %c0_i32 = arith.constant 0 : i32
    %c0_i32_0 = arith.constant 0 : i32
    %c0_i32_1 = arith.constant 0 : i32
    return %c0_i32, %c0_i32_0 : i32, i32
  }
  func.func @transform_5(%arg0: i32) -> (i32, i32) {
    %c0_i32 = arith.constant 0 : i32
    %c0_i32_0 = arith.constant 0 : i32
    %c0_i32_1 = arith.constant 0 : i32
    return %c0_i32, %c0_i32_0 : i32, i32
  }
  func.func @transform_6(%arg0: i32) -> (i32, i32, i32) {
    %c0_i32 = arith.constant 0 : i32
    %c0_i32_0 = arith.constant 0 : i32
    %c0_i32_1 = arith.constant 0 : i32
    return %arg0, %c0_i32, %c0_i32_0 : i32, i32, i32
  }
  func.func @transform_7(%arg0: i32) -> (i32, i32) {
    %c0_i32 = arith.constant 0 : i32
    %c0_i32_0 = arith.constant 0 : i32
    %c0_i32_1 = arith.constant 0 : i32
    return %c0_i32, %c0_i32_0 : i32, i32
  }
  func.func @transform_8(%arg0: i32) -> (i32, i32) {
    %c0_i32 = arith.constant 0 : i32
    %c0_i32_0 = arith.constant 0 : i32
    %c0_i32_1 = arith.constant 0 : i32
    return %c0_i32, %c0_i32_0 : i32, i32
  }
}

module attributes {stable_mosaic.version = 14 : i64} {
  func.func @_b3_body(%arg0: memref<1024x64xf32, #tpu.memory_space<vmem>>, %arg1: memref<64x512xf32, #tpu.memory_space<vmem>>, %arg2: memref<128x32x128xf32, #tpu.memory_space<vmem>>) attributes {dimension_semantics = [], scalar_prefetch = 0 : i64, scratch_operands = 0 : i64, tpu.core_type = #tpu.core_type<tc>} {
    %get3A = arith.constant 0 : index
    %get3A_0 = arith.constant 0 : index
    %get3A_1 = vector.load %arg0[%get3A, %get3A_0] : memref<1024x64xf32, #tpu.memory_space<vmem>>, vector<1024x64xf32>
    %get3A_2 = arith.constant 0 : index
    %get3A_3 = arith.constant 0 : index
    %get3A_4 = vector.load %arg1[%get3A_2, %get3A_3] : memref<64x512xf32, #tpu.memory_space<vmem>>, vector<64x512xf32>
    %dot_general3A = arith.constant dense<0.000000e+00> : vector<1024x512xf32>
    %dot_general3A_5 = tpu.matmul %get3A_1, %get3A_4, %dot_general3A {dimension_numbers = #tpu.dot_dimension_numbers<[1], [0], [0], [1], [0, 0, 1, 1], [], []>, transpose_lhs_hint = false} : vector<1024x64xf32>, vector<64x512xf32>, vector<1024x512xf32> -> vector<1024x512xf32>
    %slice3A = vector.extract_strided_slice %dot_general3A_5 {offsets = [0, 0], sizes = [1024, 128], strides = [1, 1]} : vector<1024x512xf32> to vector<1024x128xf32>
    %reshape3A = vector.shape_cast %slice3A : vector<1024x128xf32> to vector<128x8x128xf32>
    %swap3A = arith.constant 0 : index
    %swap3A_6 = arith.constant 0 : index
    %swap3A_7 = arith.constant 0 : index
    %swap3A_8 = vector.load %arg2[%swap3A, %swap3A_6, %swap3A_7] : memref<128x32x128xf32, #tpu.memory_space<vmem>>, vector<128x8x128xf32>
    tpu.vector_store %arg2[%swap3A, %swap3A_6, %swap3A_7], %reshape3A {strides = array<i32>} : memref<128x32x128xf32, #tpu.memory_space<vmem>>, vector<128x8x128xf32>,
    %slice3A_9 = vector.extract_strided_slice %dot_general3A_5 {offsets = [0, 128], sizes = [1024, 128], strides = [1, 1]} : vector<1024x512xf32> to vector<1024x128xf32>
    %reshape3A_10 = vector.shape_cast %slice3A_9 : vector<1024x128xf32> to vector<128x8x128xf32>
    %swap3A_11 = arith.constant 0 : index
    %swap3A_12 = arith.constant 8 : index
    %swap3A_13 = arith.constant 0 : index
    %swap3A_14 = vector.load %arg2[%swap3A_11, %swap3A_12, %swap3A_13] : memref<128x32x128xf32, #tpu.memory_space<vmem>>, vector<128x8x128xf32>
    tpu.vector_store %arg2[%swap3A_11, %swap3A_12, %swap3A_13], %reshape3A_10 {strides = array<i32>} : memref<128x32x128xf32, #tpu.memory_space<vmem>>, vector<128x8x128xf32>,
    %slice3A_15 = vector.extract_strided_slice %dot_general3A_5 {offsets = [0, 256], sizes = [1024, 128], strides = [1, 1]} : vector<1024x512xf32> to vector<1024x128xf32>
    %reshape3A_16 = vector.shape_cast %slice3A_15 : vector<1024x128xf32> to vector<128x8x128xf32>
    %swap3A_17 = arith.constant 0 : index
    %swap3A_18 = arith.constant 16 : index
    %swap3A_19 = arith.constant 0 : index
    %swap3A_20 = vector.load %arg2[%swap3A_17, %swap3A_18, %swap3A_19] : memref<128x32x128xf32, #tpu.memory_space<vmem>>, vector<128x8x128xf32>
    tpu.vector_store %arg2[%swap3A_17, %swap3A_18, %swap3A_19], %reshape3A_16 {strides = array<i32>} : memref<128x32x128xf32, #tpu.memory_space<vmem>>, vector<128x8x128xf32>,
    %slice3A_21 = vector.extract_strided_slice %dot_general3A_5 {offsets = [0, 384], sizes = [1024, 128], strides = [1, 1]} : vector<1024x512xf32> to vector<1024x128xf32>
    %reshape3A_22 = vector.shape_cast %slice3A_21 : vector<1024x128xf32> to vector<128x8x128xf32>
    %swap3A_23 = arith.constant 0 : index
    %swap3A_24 = arith.constant 24 : index
    %swap3A_25 = arith.constant 0 : index
    %swap3A_26 = vector.load %arg2[%swap3A_23, %swap3A_24, %swap3A_25] : memref<128x32x128xf32, #tpu.memory_space<vmem>>, vector<128x8x128xf32>
    tpu.vector_store %arg2[%swap3A_23, %swap3A_24, %swap3A_25], %reshape3A_22 {strides = array<i32>} : memref<128x32x128xf32, #tpu.memory_space<vmem>>, vector<128x8x128xf32>,
    return
  }
}

module attributes {stable_mosaic.version = 14 : i64} {
  func.func @_d_body(%arg0: i32, %arg1: memref<128x64xf32, #tpu.memory_space<vmem>>, %arg2: memref<128x1280xf32, #tpu.memory_space<vmem>>, %arg3: memref<128x1280xf32, #tpu.memory_space<vmem>>, %arg4: memref<128x12xf32, #tpu.memory_space<vmem>>, %arg5: memref<64x69xf32, #tpu.memory_space<vmem>>, %arg6: memref<1280x69xf32, #tpu.memory_space<vmem>>, %arg7: memref<1280x69xf32, #tpu.memory_space<vmem>>, %arg8: memref<12x69xf32, #tpu.memory_space<vmem>>, %arg9: memref<1x69xf32, #tpu.memory_space<vmem>>, %arg10: memref<128x69xf32, #tpu.memory_space<vmem>>) attributes {dimension_semantics = [#tpu.dimension_semantics<arbitrary>], iteration_bounds = array<i64: 8>, scalar_prefetch = 0 : i64, scratch_operands = 0 : i64, tpu.core_type = #tpu.core_type<tc>, window_params = [{transform_indices = @transform_0, window_bounds = array<i64: 128, 64>}, {transform_indices = @transform_1, window_bounds = array<i64: 128, 1280>}, {transform_indices = @transform_2, window_bounds = array<i64: 128, 1280>}, {transform_indices = @transform_3, window_bounds = array<i64: 128, 12>}, {pipeline_mode = #tpu.pipeline_mode<synchronous>, transform_indices = @transform_4, window_bounds = array<i64: 64, 69>}, {pipeline_mode = #tpu.pipeline_mode<synchronous>, transform_indices = @transform_5, window_bounds = array<i64: 1280, 69>}, {pipeline_mode = #tpu.pipeline_mode<synchronous>, transform_indices = @transform_6, window_bounds = array<i64: 1280, 69>}, {pipeline_mode = #tpu.pipeline_mode<synchronous>, transform_indices = @transform_7, window_bounds = array<i64: 12, 69>}, {pipeline_mode = #tpu.pipeline_mode<synchronous>, transform_indices = @transform_8, window_bounds = array<i64: 1, 69>}, {transform_indices = @transform_9, window_bounds = array<i64: 128, 69>}]} {
    %get3A = arith.constant 0 : index
    %get3A_0 = arith.constant 0 : index
    %get3A_1 = vector.load %arg1[%get3A, %get3A_0] : memref<128x64xf32, #tpu.memory_space<vmem>>, vector<128x64xf32>
    %get3A_2 = arith.constant 0 : index
    %get3A_3 = arith.constant 0 : index
    %get3A_4 = vector.load %arg5[%get3A_2, %get3A_3] : memref<64x69xf32, #tpu.memory_space<vmem>>, vector<64x69xf32>
    %dot_general3A = arith.constant dense<0.000000e+00> : vector<128x69xf32>
    %dot_general3A_5 = tpu.matmul %get3A_1, %get3A_4, %dot_general3A {dimension_numbers = #tpu.dot_dimension_numbers<[1], [0], [0], [1], [0, 0, 1, 1], [], []>, transpose_lhs_hint = false} : vector<128x64xf32>, vector<64x69xf32>, vector<128x69xf32> -> vector<128x69xf32>
    %get3A_6 = arith.constant 0 : index
    %get3A_7 = arith.constant 0 : index
    %get3A_8 = vector.load %arg2[%get3A_6, %get3A_7] : memref<128x1280xf32, #tpu.memory_space<vmem>>, vector<128x1280xf32>
    %get3A_9 = arith.constant 0 : index
    %get3A_10 = arith.constant 0 : index
    %get3A_11 = vector.load %arg6[%get3A_9, %get3A_10] : memref<1280x69xf32, #tpu.memory_space<vmem>>, vector<1280x69xf32>
    %dot_general3A_12 = arith.constant dense<0.000000e+00> : vector<128x69xf32>
    %dot_general3A_13 = tpu.matmul %get3A_8, %get3A_11, %dot_general3A_12 {dimension_numbers = #tpu.dot_dimension_numbers<[1], [0], [0], [1], [0, 0, 1, 1], [], []>, transpose_lhs_hint = false} : vector<128x1280xf32>, vector<1280x69xf32>, vector<128x69xf32> -> vector<128x69xf32>
    %add3A = arith.addf %dot_general3A_5, %dot_general3A_13 : vector<128x69xf32>
    %get3A_14 = arith.constant 0 : index
    %get3A_15 = arith.constant 0 : index
    %get3A_16 = vector.load %arg3[%get3A_14, %get3A_15] : memref<128x1280xf32, #tpu.memory_space<vmem>>, vector<128x1280xf32>
    %get3A_17 = arith.constant 0 : index
    %get3A_18 = arith.constant 0 : index
    %get3A_19 = vector.load %arg7[%get3A_17, %get3A_18] : memref<1280x69xf32, #tpu.memory_space<vmem>>, vector<1280x69xf32>
    %dot_general3A_20 = arith.constant dense<0.000000e+00> : vector<128x69xf32>
    %dot_general3A_21 = tpu.matmul %get3A_16, %get3A_19, %dot_general3A_20 {dimension_numbers = #tpu.dot_dimension_numbers<[1], [0], [0], [1], [0, 0, 1, 1], [], []>, transpose_lhs_hint = false} : vector<128x1280xf32>, vector<1280x69xf32>, vector<128x69xf32> -> vector<128x69xf32>
    %add3A_22 = arith.addf %add3A, %dot_general3A_21 : vector<128x69xf32>
    %get3A_23 = arith.constant 0 : index
    %get3A_24 = arith.constant 0 : index
    %get3A_25 = vector.load %arg4[%get3A_23, %get3A_24] : memref<128x12xf32, #tpu.memory_space<vmem>>, vector<128x12xf32>
    %get3A_26 = arith.constant 0 : index
    %get3A_27 = arith.constant 0 : index
    %get3A_28 = vector.load %arg8[%get3A_26, %get3A_27] : memref<12x69xf32, #tpu.memory_space<vmem>>, vector<12x69xf32>
    %dot_general3A_29 = arith.constant dense<0.000000e+00> : vector<128x69xf32>
    %dot_general3A_30 = tpu.matmul %get3A_25, %get3A_28, %dot_general3A_29 {dimension_numbers = #tpu.dot_dimension_numbers<[1], [0], [0], [1], [0, 0, 1, 1], [], []>, transpose_lhs_hint = false} : vector<128x12xf32>, vector<12x69xf32>, vector<128x69xf32> -> vector<128x69xf32>
    %add3A_31 = arith.addf %add3A_22, %dot_general3A_30 : vector<128x69xf32>
    %get3A_32 = arith.constant 0 : index
    %get3A_33 = arith.constant 0 : index
    %get3A_34 = vector.load %arg9[%get3A_32, %get3A_33] : memref<1x69xf32, #tpu.memory_space<vmem>>, vector<1x69xf32>
    %add3A_35 = vector.broadcast %get3A_34 : vector<1x69xf32> to vector<128x69xf32>
    %add3A_36 = arith.addf %add3A_31, %add3A_35 : vector<128x69xf32>
    %swap3A = arith.constant 0 : index
    %swap3A_37 = arith.constant 0 : index
    %swap3A_38 = vector.load %arg10[%swap3A, %swap3A_37] : memref<128x69xf32, #tpu.memory_space<vmem>>, vector<128x69xf32>
    tpu.vector_store %arg10[%swap3A, %swap3A_37], %add3A_36 {strides = array<i32>} : memref<128x69xf32, #tpu.memory_space<vmem>>, vector<128x69xf32>,
    return
  }
  func.func @transform_0(%arg0: i32) -> (i32, i32) {
    %c0_i32 = arith.constant 0 : i32
    %c0_i32_0 = arith.constant 0 : i32
    return %arg0, %c0_i32 : i32, i32
  }
  func.func @transform_1(%arg0: i32) -> (i32, i32) {
    %c0_i32 = arith.constant 0 : i32
    %c0_i32_0 = arith.constant 0 : i32
    return %arg0, %c0_i32 : i32, i32
  }
  func.func @transform_2(%arg0: i32) -> (i32, i32) {
    %c0_i32 = arith.constant 0 : i32
    %c0_i32_0 = arith.constant 0 : i32
    return %arg0, %c0_i32 : i32, i32
  }
  func.func @transform_3(%arg0: i32) -> (i32, i32) {
    %c0_i32 = arith.constant 0 : i32
    %c0_i32_0 = arith.constant 0 : i32
    return %arg0, %c0_i32 : i32, i32
  }
  func.func @transform_4(%arg0: i32) -> (i32, i32) {
    %c0_i32 = arith.constant 0 : i32
    %c0_i32_0 = arith.constant 0 : i32
    %c0_i32_1 = arith.constant 0 : i32
    return %c0_i32, %c0_i32_0 : i32, i32
  }
  func.func @transform_5(%arg0: i32) -> (i32, i32) {
    %c0_i32 = arith.constant 0 : i32
    %c0_i32_0 = arith.constant 0 : i32
    %c0_i32_1 = arith.constant 0 : i32
    return %c0_i32, %c0_i32_0 : i32, i32
  }
  func.func @transform_6(%arg0: i32) -> (i32, i32) {
    %c0_i32 = arith.constant 0 : i32
    %c0_i32_0 = arith.constant 0 : i32
    %c0_i32_1 = arith.constant 0 : i32
    return %c0_i32, %c0_i32_0 : i32, i32
  }
  func.func @transform_7(%arg0: i32) -> (i32, i32) {
    %c0_i32 = arith.constant 0 : i32
    %c0_i32_0 = arith.constant 0 : i32
    %c0_i32_1 = arith.constant 0 : i32
    return %c0_i32, %c0_i32_0 : i32, i32
  }
  func.func @transform_8(%arg0: i32) -> (i32, i32) {
    %c0_i32 = arith.constant 0 : i32
    %c0_i32_0 = arith.constant 0 : i32
    %c0_i32_1 = arith.constant 0 : i32
    return %c0_i32, %c0_i32_0 : i32, i32
  }
  func.func @transform_9(%arg0: i32) -> (i32, i32) {
    %c0_i32 = arith.constant 0 : i32
    %c0_i32_0 = arith.constant 0 : i32
    return %arg0, %c0_i32 : i32, i32
  }
}

</mosaic_0001>

<sc_bundles>
// kernel: kernel.10.cloned.1.call-start
scs
__scs_entry_jumppad:
0x0: {  	(pc) =	sbr.rel $0x88, $3  }
0x1: {  	(tag) =	ssettag $0x0;
	lr =	simm.s32 $0x1  }
0x2: {  	[smem:$0x3F92] =	sst lr;
	_ =	strace $0xD0000000  }
0x3: {  	_ = 	snop  }
0x4: {  	_ = 	snop  }
0x5: {  	_ = 	snop  }
0x6: {  	_ = 	snop  }
0x7: {  	_ = 	snop  }
__scs_overlays_trampoline_lowered:
0x8: {  	[smem:$0x3FA1] =	sst s0  }
0x9: {  	[smem:$0x3FA2] =	sst s1  }
0xa: {  	[smem:$0x3FA3] =	sst s2  }
0xb: {  	[smem:$0x3FA4] =	sst s3  }
0xc: {  	[smem:$0x3FA5] =	sst s4  }
0xd: {  	[smem:$0x3FA6] =	sst s5  }
0xe: {  	[smem:$0x3FA7] =	sst s6  }
0xf: {  	[smem:$0x3FA8] =	sst s7  }
0x10: {  	[smem:$0x3FA9] =	sst s8  }
0x11: {  	[smem:$0x3FAA] =	sst s9;
	s0 =	simm.s32 @!p0 $0x0  }
0x12: {  	s1 =	sld [smem:$0x3F90];
	s0 =	simm.s32 @p0 $0x1  }
0x13: {  	[smem:$0x3FAB] =	sst s0;
	s0 =	simm.s32 @!p1 $0x0  }
0x14: {  	s2 =	sld [smem:$0x3F8F];
	s0 =	simm.s32 @p1 $0x1  }
0x15: {  	[smem:$0x3FAC] =	sst s0;
	s0 =	simm.s32 @!p2 $0x0  }
0x16: {  	s3 =	sld [smem:$0x3FDB];
	s0 =	simm.s32 @p2 $0x1  }
0x17: {  	s4 =	simm.s32 $0x1BF5;
	[smem:$0x3FAE] =	sst s0  }
0x18: {  	s0 =	sld [smem:$0x3F91];
	_ =	swait.ge [sflag:s4], $0x0  }
0x19: {  	s7 =	sld [smem:$0x3F92]  }
0x1a: {  	s8 =	sadd.s32 $0xFFFFE003, lr  }
0x1b: {  	s9 =	sadd.s32 $0xFFFFFEF7, lr;
	s5 =	simm.s32 $0xFFFFFFFF;
	p2 =	slt.u32 s8, $0xFFFFF086  }
0x1c: {  	p1 =	slt.u32 s9, $0xF7A;
	s5 =	simm.s32 @!p2 $0x0  }
0x1d: {  	s5 =	simm.s32 @p1 $0x1;
	p0 =	seq.s32 s7, s2  }
0x1e: {  	s7 =	smul.u32 @!p0 $0xF7A, s2;
	p2 =	seq.s32 @!p0 s5, $0x0  }
0x1f: {  	s9 =	smul.u32 $0xF7A, s1;
	s8 =	simm.s32 @!p0 $0x1BF5;
	p2 =	por !p2, p0  }
0x20: {  	[sflag:s8] =	ssyncset.s32 @!p0 $0xFFFFF086;
	s6 =	sadd.s32 @!p0 s3, s7;
	s7 =	simm.s32 @!p0 $0x108  }
0x21: {  	s3 =	sadd.s32 s3, s9;
	s6 =	sadd.s32 @!p0 $0x88, s6;
	s7 =	simm.s32 @p2 $0x1082  }
0x22: {  	[simem:s7], [sflag:s8] =	dma.local @!p0 [hbm:s6], $0xF7A  }
0x23: {  	s9 =	sor.u32 $0xD0000000, s2;
	s6 =	simm.s32 $0x108;
	_ =	swait.ge @!p0 [sflag:s8], $0x0  }
0x24: {  	s3 =	sadd.s32 $0x88, s3;
	s6 =	simm.s32 @!p1 $0x1082;
	[sflag:s4] =	ssyncset.s32 $0xFFFFF086  }
0x25: {  	[simem:s6], [sflag:s4] =	dma.local [hbm:s3], $0xF7A  }
0x26: {  	[smem:$0x3F92] =	sst s1;
	(tag) =	ssettag s2;
	_ =	strace s9  }
0x27: {  	s1 =	sld [smem:$0x3FA2]  }
0x28: {  	s2 =	sld [smem:$0x3FA3]  }
0x29: {  	s4 =	sld [smem:$0x3FA5]  }
0x2a: {  	p0 =	seq.s32 s5, $0x0;
	s5 =	sld [smem:$0x3FA6]  }
0x2b: {  	s6 =	sld [smem:$0x3FA7]  }
0x2c: {  	s7 =	sld [smem:$0x3FA8]  }
0x2d: {  	s3 =	simm.s32 $0x108;
	s8 =	sld [smem:$0x3FA9]  }
0x2e: {  	s3 =	simm.s32 @!p0 $0x1082;
	s9 =	sld [smem:$0x3FAA]  }
0x2f: {  	lr =	sadd.s32 s0, s3;
	s0 =	sld [smem:$0x3FA1]  }
0x30: {  	s3 =	sld [smem:$0x3FA4]  }
0x31: {  	[smem:$0x3FAD] =	sst s10  }
0x32: {  	s10 =	sld [smem:$0x3FAB];
	_ =	sdelay $0x3  }
0x33: {  	p0 =	seq.s32 s10, $0x1;
	s10 =	sld [smem:$0x3FAD];
	_ =	sdelay $0x3  }
0x34: {  	[smem:$0x3FAD] =	sst s10  }
0x35: {  	s10 =	sld [smem:$0x3FAC];
	_ =	sdelay $0x3  }
0x36: {  	p1 =	seq.s32 s10, $0x1;
	s10 =	sld [smem:$0x3FAD];
	_ =	sdelay $0x3  }
0x37: {  	[smem:$0x3FAD] =	sst s10  }
0x38: {  	s10 =	sld [smem:$0x3FAE]  }
0x39: {  	_ = 	snop;
	(pc) =	sbr.ind lr, $3  }
0x3a: {  	_ = 	snop  }
0x3b: {  	_ = 	snop  }
0x3c: {  	p2 =	seq.s32 s10, $0x1;
	s10 =	sld [smem:$0x3FAD]  }
0x3d: {  	_ =	shalt  }
0x3e: {  	_ =	shalt  }
0x3f: {  	_ =	shalt  }
0x40: {  	_ =	shalt  }
0x41: {  	_ =	shalt  }
0x42: {  	_ =	shalt  }
0x43: {  	_ =	shalt  }
0x44: {  	_ =	shalt  }
0x45: {  	_ =	shalt  }
0x46: {  	_ =	shalt  }
0x47: {  	_ =	shalt  }
0x48: {  	_ =	shalt  }
0x49: {  	_ =	shalt  }
0x4a: {  	_ =	shalt  }
0x4b: {  	_ =	shalt  }
0x4c: {  	_ =	shalt  }
0x4d: {  	_ =	shalt  }
0x4e: {  	_ =	shalt  }
0x4f: {  	_ =	shalt  }
0x50: {  	_ =	shalt  }
0x51: {  	_ =	shalt  }
0x52: {  	_ =	shalt  }
0x53: {  	_ =	shalt  }
0x54: {  	_ =	shalt  }
0x55: {  	_ =	shalt  }
0x56: {  	_ =	shalt  }
0x57: {  	_ =	shalt  }
0x58: {  	_ =	shalt  }
0x59: {  	_ =	shalt  }
0x5a: {  	_ =	shalt  }
0x5b: {  	_ =	shalt  }
0x5c: {  	_ =	shalt  }
0x5d: {  	_ =	shalt  }
0x5e: {  	_ =	shalt  }
0x5f: {  	_ =	shalt  }
0x60: {  	_ =	shalt  }
0x61: {  	_ =	shalt  }
0x62: {  	_ =	shalt  }
0x63: {  	_ =	shalt  }
0x64: {  	_ =	shalt  }
0x65: {  	_ =	shalt  }
0x66: {  	_ =	shalt  }
0x67: {  	_ =	shalt  }
0x68: {  	_ =	shalt  }
0x69: {  	_ =	shalt  }
0x6a: {  	_ =	shalt  }
0x6b: {  	_ =	shalt  }
0x6c: {  	_ =	shalt  }
0x6d: {  	_ =	shalt  }
0x6e: {  	_ =	shalt  }
0x6f: {  	_ =	shalt  }
0x70: {  	_ =	shalt  }
0x71: {  	_ =	shalt  }
0x72: {  	_ =	shalt  }
0x73: {  	_ =	shalt  }
0x74: {  	_ =	shalt  }
0x75: {  	_ =	shalt  }
0x76: {  	_ =	shalt  }
0x77: {  	_ =	shalt  }
0x78: {  	_ =	shalt  }
0x79: {  	_ =	shalt  }
0x7a: {  	_ =	shalt  }
0x7b: {  	_ =	shalt  }
0x7c: {  	_ =	shalt  }
0x7d: {  	_ =	shalt  }
0x7e: {  	_ =	shalt  }
0x7f: {  	_ =	shalt  }
0x80: {  	_ =	shalt  }
0x81: {  	_ =	shalt  }
0x82: {  	_ =	shalt  }
0x83: {  	_ =	shalt  }
0x84: {  	_ =	shalt  }
0x85: {  	_ =	shalt  }
0x86: {  	_ =	shalt  }
0x87: {  	_ =	shalt  }
.Lfunc_end0:
.L_simem_size_0:
called_computation.1_lowered:
.L_overlay_start_0:
0x88: {  	s2 =	sld [smem:$0x3FD9]  }
0x89: {  	s3 =	sld [smem:$0x3FFE];
	_ =	sdelay $0x1  }
0x8a: {  	s1 =	srdreg.scid  }
0x8b: {  	s0 =	sand.u32 $0x1, s1  }
0x8c: {  	s16 =	sshll.u32 s0, $0xA;
	s2 =	sadd.s32 s3, s2  }
0x8d: {  	s2 =	sadd.s32 s2, s16  }
0x8e: {  	[smem:$0x3FB9] =	sst s2  }
0x8f: {  	_ = 	snop  }
0x90: {  	(tm) =	ssettm $0x1  }
0x91: {  	s17 =	sld [smem:$0x3FFB];
	_ =	sdelay $0x3  }
0x92: {  	_ =	strace s17  }
0x93: {  	s2 =	sld [smem:$0x3FFC];
	_ =	sdelay $0x3  }
0x94: {  	_ =	strace s2  }
0x95: {  	s2 =	sld [smem:$0x3FFD];
	_ =	sdelay $0x3  }
0x96: {  	_ =	strace s2  }
0x97: {  	_ =	strace $0x8FFFFFFF  }
0x98: {  	s18 =	sld [smem:$0x3FDB];
	_ =	sdelay $0x1  }
0x99: {  	s19 =	simm.s32 $_scs_section_size  }
0x9a: {  	s4 =	simm.s32 $_size__tile_overlayer_lowered;
	s5 =	simm.s32 $_tile_overlayer_lowered  }
0x9b: {  	s22 =	simm.s32 $0x1BFF;
	s21 =	sshll.u32 s5, $0x1;
	s2 =	sadd.s32 s19, s18  }
0x9c: {  	s6 =	simm.s32 $0x0;
	s20 =	sshll.u32 s4, $0x1;
	s4 =	sadd.s32 s21, s2  }
0x9d: {  	[timem:s6], [sflag:s22] =	dma.local [hbm:s4], s20  }
0x9e: {  	_ =	swait.ge [sflag:s22], s20  }
0x9f: {  	s3 =	ssub.s32 $0x0, s20;
	[sflag:s22] =	ssyncset.done $0x0  }
0xa0: {  	[sflag:s22] =	ssyncadd.s32 s3;
	_ =	sdelay $0x1  }
0xa1: {  	s23 =	simm.s32 $0x1B8B  }
0xa2: {  	_ =	swait.ge [sflag:s23], $0x1  }
0xa3: {  	[sflag:s23] =	ssyncset.done $0x0  }
0xa4: {  	s25 =	simm.s32 $0x1B8E;
	s24 =	sld [smem:$0x3FFE];
	[sflag:s23] =	ssyncadd.s32 $0xFFFFFFFF  }
0xa5: {  	s26 =	simm.s32 $execute0_lowered;
	[smem:$0x3FD2] =	sst s25  }
0xa6: {  	s4 =	sshll.u32 s26, $0x1;
	_ =	strace $0x80000049;
	[dreg:$0x1] =	wrdreg $0xFFFFFFFF  }
0xa7: {  	s28 =	simm.s32 $_size_execute0_lowered;
	s2 =	sadd.s32 s2, s4;
	[dreg:$0x0] =	wrdreg $0x0  }
0xa8: {  	s4 =	sshll.u32 s28, $0x1;
	[dreg:$0x2] =	wrdreg s2  }
0xa9: {  	[dreg:$0x3] =	wrdreg s4  }
0xaa: {  	[dreg:$0x4] =	wrdreg $0xC0  }
0xab: {  	_ =	task [dreg:s6], $0x5FFFF  }
0xac: {  	[dreg:$0x1] =	wrdreg $0xFFFFFFFF  }
0xad: {  	[dreg:$0x0] =	wrdreg $0x60  }
0xae: {  	[dreg:$0x2] =	wrdreg s24  }
0xaf: {  	[dreg:$0x3] =	wrdreg $0x9  }
0xb0: {  	_ =	task.clear_ibuf [dreg:s6], $0x4FFFF;
	_ =	strace $0x90000049  }
0xb1: {  	s29 =	simm.s32 $0x9;
	_ =	strace $0x8000004B  }
0xb2: {  	_ =	swait.ge [sflag:s29], $0x1  }
0xb3: {  	[sflag:s29] =	ssyncadd.s32 $0xFFFFFFFF  }
0xb4: {  	_ =	strace $0x9000004B  }
0xb5: {  	_ =	sfence  }
0xb6: {  	s30 =	sld [smem:$0x0];
	_ =	sdelay $0x2  }
0xb7: {  	s31 =	sshll.u32 s1, $0xD;
	s1 =	sshrl.u32 s1, $0x2  }
0xb8: {  	s3 =	sand.u32 $0x4000, s31;
	s1 =	sadd.s32 s1, s30  }
0xb9: {  	s0 =	sor.u32 s3, s0;
	s1 =	sshll.u32 s1, $0x11  }
0xba: {  	s0 =	sor.u32 s1, s0  }
0xbb: {  	s0 =	sadd.s32 $0x8F2B, s0  }
0xbc: {  	[sflag:s0] =	ssyncadd.remote.s32 $0x1  }
0xbd: {  	_ =	sfence.sel $0xFFFF  }
0xbe: {  	[dreg:$0x0] =	wrdreg $0xFFFFFFFF;
	(pc) =	sbr.abs _section_cstart, $3  }
0xbf: {  	[dreg:$0x1] =	wrdreg $0xFFFFFFFF  }
0xc0: {  	_ =	task.clear_ibuf [dreg:s6], $0x2FFFF;
	_ =	strace $0x9FFFFFFF  }
0xc1: {  	(tm) =	ssettm $0x7FFFFFFF  }
tec
execute0_lowered:
.L_overlay_start_1:
0x0: {  	(tag) =	ssettag $0x1  }
0x1: {  	s1 =	srdreg.scid  }
0x2: {  	s0 =	stileid.u32;
	s6 =	rddreg [dreg:$0x0];
	s2 =	simm.s32 $0x0  }
0x3: {  	s11 =	simm.s32 $0x2;
	s12 =	simm.s32 $0x280;
	s13 =	simm.s32 $0x780  }
0x4: {  	s14 =	simm.s32 $0x1B80;
	s15 =	simm.s32 $0x500;
	s16 =	simm.s32 $0x2F80  }
0x5: {  	s17 =	simm.s32 $0x1;
	s18 =	simm.s32 $0xB1C0;
	s19 =	simm.s32 $0x0  }
0x6: {  	s7 =	sand.u32 $0x1, s1;
	s3 =	sshll.u32 s0, $0x1;
	s1 =	rddreg [dreg:$0x1]  }
0x7: {  	[smem:$0x7FF] =	sst s2;
	s5 =	sadd.s32 $0x73E00, s6;
	s4 =	sor.u32 s7, s3  }
0x8: {  	_ =	strace $0x8000004A;
	s7 =	ssub.s32 $0x2, s7;
	s8 =	smul.u32 $0x50, s4  }
0x9: {  	s3 =	sadd.s32 $0x33E00, s6;
	s9 =	smul.u32 $0x1400, s4;
	s31 =	sshrl.u32 s7, $0x1  }
0xa: {  	s4 =	sadd.s32 $0x76E00, s6;
	s10 =	ssub.s32 s7, s31;
	s8 =	sadd.s32 s8, s6  }
0xb: {  	s9 =	sadd.s32 s9, s6;
	s10 =	smax.u32 s10, $0x1;
	s6 =	sadd.s32 $0x76400, s8  }
0xc: {  	s7 =	sadd.s32 $0x75A00, s8;
	s8 =	sadd.s32 $0x75000, s8;
	s9 =	sadd.s32 $0x86E00, s9  }
.LBB2_1:
0xd: {  	[tilespmem:s2], [sflag:$0x2] =	stream.linear.gather [hbm4b:s6+s2], $0x280, $0x38;
	[tilespmem:$0x165C0] =	vst v63  }
0xe: {  	_ =	swait.ge [sflag:s11], $0x280  }
0xf: {  	[sflag:s11] =	ssyncset.done $0x0  }
0x10: {  	[sflag:s11] =	ssyncadd.s32 $0xFFFFFD80  }
0x11: {  	[tilespmem:s13], [sflag:$0x1] =	stream.indirect.gather [hbm4b:s3+s12], $0x8, s2, s12, $0xb8;
	[tilespmem:$0x165C0] =	vst v63  }
0x12: {  	_ = 	snop  }
0x13: {  	[tilespmem:s12], [sflag:$0x2] =	stream.linear.gather [hbm4b:s7+s2], $0x280, $0x38;
	[tilespmem:$0x165C0] =	vst v63  }
0x14: {  	_ =	swait.ge [sflag:s11], $0x280  }
0x15: {  	[sflag:s11] =	ssyncset.done $0x0  }
0x16: {  	[sflag:s11] =	ssyncadd.s32 $0xFFFFFD80  }
0x17: {  	[tilespmem:s14], [sflag:$0x1] =	stream.indirect.gather [hbm4b:s4+s12], $0x8, s12, s12, $0xb8;
	[tilespmem:$0x165C0] =	vst v63  }
0x18: {  	_ = 	snop  }
0x19: {  	[tilespmem:s15], [sflag:$0x2] =	stream.linear.gather [hbm4b:s8+s2], $0x280, $0x38;
	[tilespmem:$0x165C0] =	vst v63  }
0x1a: {  	_ =	swait.ge [sflag:s11], $0x280  }
0x1b: {  	[sflag:s11] =	ssyncset.done $0x0  }
0x1c: {  	[sflag:s11] =	ssyncadd.s32 $0xFFFFFD80  }
0x1d: {  	[tilespmem:s16], [sflag:$0x2] =	stream.linear.gather [hbm4b:s5+s2], $0x8240, $0x38;
	[tilespmem:$0x165C0] =	vst v63  }
0x1e: {  	_ =	swait.ge [sflag:s11], $0x8240  }
0x1f: {  	[sflag:s11] =	ssyncset.done $0x0  }
0x20: {  	[sflag:s11] =	ssyncadd.s32 $0xFFFF7DC0  }
0x21: {  	_ =	swait.ge [sflag:s17], $0x1400  }
0x22: {  	[sflag:s17] =	ssyncset.done $0x0  }
0x23: {  	[sflag:s17] =	ssyncadd.s32 $0xFFFFEC00  }
0x24: {  	_ =	swait.ge [sflag:s17], $0x1400  }
0x25: {  	[sflag:s17] =	ssyncset.done $0x0  }
0x26: {  	s20 =	simm.s32 $0x0;
	[sflag:s17] =	ssyncadd.s32 $0xFFFFEC00  }
.LBB2_2:
0x27: {  	s21 =	sshll.u32 s20, $0x4;
	v0 =	vlaneseq.u32  }
0x28: {  	v25 =	vor.u32 s21, v0  }
0x29: {  	v1 =	vshll.u32 v25, $0x3;
	_ =	sdelay $0x1  }
0x2a: {  	v2 =	vor.u32 $0x1, v1  }
0x2b: {  	v3 =	vor.u32 $0x2, v1  }
0x2c: {  	v4 =	vor.u32 $0x3, v1  }
0x2d: {  	v5 =	vor.u32 $0x4, v1;
	v6 =	vld.idx.msk [tilespmem:v1+s13+$0x0], $0xffff  }
0x2e: {  	v7 =	vor.u32 $0x5, v1;
	v9 =	vor.u32 $0x6, v1;
	v11 =	vor.u32 $0x7, v1;
	v1 =	vld.idx.msk [tilespmem:v1+s14+$0x0], $0xffff  }
0x2f: {  	v8 =	vld.idx.msk [tilespmem:v2+s13+$0x0], $0xffff  }
0x30: {  	v10 =	vld.idx.msk [tilespmem:v3+s13+$0x0], $0xffff  }
0x31: {  	v12 =	vld.idx.msk [tilespmem:v4+s13+$0x0], $0xffff  }
0x32: {  	v13 =	vld.idx.msk [tilespmem:v5+s13+$0x0], $0xffff  }
0x33: {  	v14 =	vld.idx.msk [tilespmem:v7+s13+$0x0], $0xffff  }
0x34: {  	v15 =	vld.idx.msk [tilespmem:v9+s13+$0x0], $0xffff  }
0x35: {  	v16 =	vld.idx.msk [tilespmem:v11+s13+$0x0], $0xffff  }
0x36: {  	v2 =	vld.idx.msk [tilespmem:v2+s14+$0x0], $0xffff  }
0x37: {  	v3 =	vld.idx.msk [tilespmem:v3+s14+$0x0], $0xffff  }
0x38: {  	v4 =	vld.idx.msk [tilespmem:v4+s14+$0x0], $0xffff  }
0x39: {  	v5 =	vld.idx.msk [tilespmem:v5+s14+$0x0], $0xffff  }
0x3a: {  	v7 =	vld.idx.msk [tilespmem:v7+s14+$0x0], $0xffff;
	v17 =	vmax.f32 v6, v8  }
0x3b: {  	v9 =	vld.idx.msk [tilespmem:v9+s14+$0x0], $0xffff;
	v18 =	vmax.f32 v1, v2;
	v17 =	vmax.f32 v17, v10  }
0x3c: {  	v11 =	vld.idx.msk [tilespmem:v11+s14+$0x0], $0xffff;
	v18 =	vmax.f32 v18, v3;
	v17 =	vmax.f32 v17, v12  }
0x3d: {  	v18 =	vmax.f32 v18, v4;
	v17 =	vmax.f32 v17, v13  }
0x3e: {  	v18 =	vmax.f32 v18, v5;
	v17 =	vmax.f32 v17, v14  }
0x3f: {  	v18 =	vmax.f32 v18, v7;
	v17 =	vmax.f32 v17, v15  }
0x40: {  	v18 =	vmax.f32 v18, v9;
	v17 =	vmax.f32 v17, v16  }
0x41: {  	v18 =	vmax.f32 v18, v11;
	v6 =	vsub.f32 v6, v17  }
0x42: {  	v8 =	vsub.f32 v8, v17;
	v1 =	vsub.f32 v1, v18  }
0x43: {  	v10 =	vsub.f32 v10, v17;
	v6 =	vmul.f32 $1.442695020e+00, v6  }
0x44: {  	v12 =	vsub.f32 v12, v17;
	v8 =	vmul.f32 $1.442695020e+00, v8;
	v1 =	vmul.f32 $1.442695020e+00, v1  }
0x45: {  	(erf) = vpow2.f32 v6;
	v6 =	vmul.f32 $1.442695020e+00, v10;
	v10 =	vsub.f32 v13, v17  }
0x46: {  	(erf) = vpow2.f32 v8;
	v8 =	vmul.f32 $1.442695020e+00, v12;
	v12 =	vsub.f32 v14, v17  }
0x47: {  	(erf) = vpow2.f32 v6;
	v6 =	vmul.f32 $1.442695020e+00, v10;
	v10 =	vsub.f32 v15, v17  }
0x48: {  	(erf) = vpow2.f32 v8;
	v8 =	vmul.f32 $1.442695020e+00, v12;
	v12 =	vsub.f32 v16, v17  }
0x49: {  	(erf) = vpow2.f32 v6;
	v6 =	vmul.f32 $1.442695020e+00, v10  }
0x4a: {  	v2 =	vsub.f32 v2, v18;
	(erf) = vpow2.f32 v8;
	v8 =	vmul.f32 $1.442695020e+00, v12  }
0x4b: {  	(erf) = vpow2.f32 v6  }
0x4c: {  	v3 =	vsub.f32 v3, v18;
	v2 =	vmul.f32 $1.442695020e+00, v2;
	(erf) = vpow2.f32 v8  }
0x4d: {  	(erf) = vpow2.f32 v1  }
0x4e: {  	v1 =	vpop (erf);
	(erf) = vpow2.f32 v2;
	v2 =	vmul.f32 $1.442695020e+00, v3;
	v3 =	vsub.f32 v4, v18  }
0x4f: {  	v4 =	vpop (erf)  }
0x50: {  	v6 =	vpop (erf);
	(erf) = vpow2.f32 v2;
	v2 =	vmul.f32 $1.442695020e+00, v3;
	v3 =	vsub.f32 v5, v18  }
0x51: {  	v5 =	vpop (erf)  }
0x52: {  	v8 =	vpop (erf);
	(erf) = vpow2.f32 v2;
	v2 =	vmul.f32 $1.442695020e+00, v3;
	v3 =	vsub.f32 v7, v18  }
0x53: {  	v7 =	vpop (erf)  }
0x54: {  	v10 =	vpop (erf);
	(erf) = vpow2.f32 v2;
	v2 =	vmul.f32 $1.442695020e+00, v3;
	v3 =	vsub.f32 v9, v18  }
0x55: {  	v9 =	vpop (erf)  }
0x56: {  	v12 =	vpop (erf);
	(erf) = vpow2.f32 v2;
	v2 =	vmul.f32 $1.442695020e+00, v3;
	v3 =	vsub.f32 v11, v18  }
0x57: {  	v13 =	vadd.f32 v4, v1;
	v11 =	vpop (erf)  }
0x58: {  	(erf) = vpow2.f32 v2;
	v2 =	vmul.f32 $1.442695020e+00, v3;
	v3 =	vadd.f32 v11, v12;
	_ =	sdelay $0x1  }
0x59: {  	v13 =	vadd.f32 v13, v6;
	v14 =	vpop (erf)  }
0x5a: {  	(erf) = vpow2.f32 v2;
	v2 =	vadd.f32 v3, v14  }
0x5b: {  	v13 =	vadd.f32 v13, v5;
	v3 =	vpop (erf)  }
0x5c: {  	v2 =	vadd.f32 v2, v3  }
0x5d: {  	v13 =	vadd.f32 v13, v8;
	v15 =	vpop (erf)  }
0x5e: {  	v2 =	vadd.f32 v2, v15  }
0x5f: {  	v13 =	vadd.f32 v13, v7;
	v16 =	vpop (erf)  }
0x60: {  	v2 =	vadd.f32 v2, v16  }
0x61: {  	v13 =	vadd.f32 v13, v10;
	v17 =	vpop (erf)  }
0x62: {  	v2 =	vadd.f32 v2, v17  }
0x63: {  	v13 =	vadd.f32 v13, v9;
	v18 =	vpop (erf)  }
0x64: {  	v2 =	vadd.f32 v2, v18  }
0x65: {  	(erf) = vrcp.f32 v13  }
0x66: {  	(erf) = vrcp.f32 v2;
	_ =	sdelay $0x7  }
0x67: {  	v2 =	vpop (erf)  }
0x68: {  	v19 =	vmul.f32 $5.000000000e-01, v2;
	v13 =	vpop (erf)  }
0x69: {  	v13 =	vmul.f32 $5.000000000e-01, v13  }
0x6a: {  	v1 =	vmul.f32 v19, v1  }
0x6b: {  	v4 =	vmul.f32 v19, v4;
	v2 =	vmul.f32 v13, v12;
	v12 =	vld [tilespmem:s21+$0x500]  }
0x6c: {  	v6 =	vmul.f32 v19, v6;
	v11 =	vmul.f32 v13, v11  }
0x6d: {  	v8 =	vmul.f32 v19, v8;
	v14 =	vmul.f32 v13, v14;
	v1 =	vadd.f32 v2, v1  }
0x6e: {  	v2 =	vadd.f32 v11, v4;
	v4 =	vmul.f32 v19, v5;
	v5 =	vmul.f32 v13, v3  }
0x6f: {  	v10 =	vmul.f32 v19, v10;
	v3 =	vadd.f32 v14, v6;
	v11 =	vmul.f32 v13, v15  }
0x70: {  	v15 =	vmul.f32 v13, v17;
	v4 =	vadd.f32 v5, v4;
	v6 =	vmul.u32 $0x209, v12  }
0x71: {  	v5 =	vadd.f32 v11, v8;
	v11 =	vmul.f32 v19, v9;
	v12 =	vmul.f32 v13, v18  }
0x72: {  	v7 =	vmul.f32 v19, v7;
	v14 =	vmul.f32 v13, v16;
	v9 =	vadd.s32 $0x1C7, v6  }
0x73: {  	v8 =	vadd.f32 v15, v10;
	v10 =	vadd.f32 v12, v11;
	v12 =	vadd.s32 $0x41, v6  }
0x74: {  	v15 =	vadd.s32 $0x104, v6  }
0x75: {  	v7 =	vadd.f32 v14, v7;
	v14 =	vadd.s32 $0x82, v6  }
0x76: {  	v17 =	vadd.s32 $0xC3, v6;
	v26 =	vld.idx.msk [tilespmem:v6+s16+$0x0], $0xffff  }
0x77: {  	v22 =	vadd.s32 $0x186, v6;
	v27 =	vld.idx.msk [tilespmem:v9+s16+$0x0], $0xffff  }
0x78: {  	s22 =	simm.s32 $0x2;
	v20 =	vadd.s32 $0x145, v6;
	v30 =	vld.idx.msk [tilespmem:v12+s16+$0x0], $0xffff  }
0x79: {  	v34 =	vadd.s32 s22, v14;
	v31 =	vld.idx.msk [tilespmem:v15+s16+$0x0], $0xffff  }
0x7a: {  	v37 =	vadd.s32 s22, v17;
	v36 =	vld.idx.msk [tilespmem:v14+s16+$0x0], $0xffff  }
0x7b: {  	v63 =	vmov s22;
	v25 =	vmul.u32 $0x48, v25;
	v33 =	vadd.s32 s22, v12;
	v39 =	vld.idx.msk [tilespmem:v17+s16+$0x0], $0xffff  }
0x7c: {  	s30 =	simm.s32 $0x1;
	v58 =	vand.u32 $0x38, v63;
	v11 =	vadd.s32 $0x45, v6;
	v41 =	vadd.s32 s22, v9;
	v43 =	vld.idx.msk [tilespmem:v22+s16+$0x0], $0xffff  }
0x7d: {  	v13 =	vadd.s32 $0x86, v6;
	v45 =	vadd.s32 s30, v9;
	v47 =	vld.idx.msk [tilespmem:v20+s16+$0x0], $0xffff;
	v26 =	vmul.f32 v26, v1  }
0x7e: {  	v16 =	vadd.s32 $0xC7, v6;
	v28 =	vadd.s32 s30, v6;
	v48 =	vadd.s32 s22, v15;
	v34 =	vld.idx.msk [tilespmem:v34+s16+$0x0], $0xffff  }
0x7f: {  	s23 =	simm.s32 $0x3;
	v49 =	vadd.s32 s22, v20;
	v37 =	vld.idx.msk [tilespmem:v37+s16+$0x0], $0xffff;
	v30 =	vmul.f32 v30, v2;
	v26 =	vadd.f32 $0.0e+00, v26  }
0x80: {  	v29 =	vadd.s32 s22, v6;
	v35 =	vadd.s32 s23, v20;
	v46 =	vadd.s32 s30, v15;
	v33 =	vld.idx.msk [tilespmem:v33+s16+$0x0], $0xffff  }
0x81: {  	v18 =	vadd.s32 s23, v15;
	v41 =	vld.idx.msk [tilespmem:v41+s16+$0x0], $0xffff;
	v36 =	vmul.f32 v36, v3;
	v26 =	vadd.f32 v30, v26  }
0x82: {  	v52 =	vadd.s32 s23, v6;
	v32 =	vadd.s32 s30, v12;
	v30 =	vmul.f32 v39, v4;
	v39 =	vld.idx.msk [tilespmem:v45+s16+$0x0], $0xffff;
	[tilespmem:$0x1FFF0] =	vst v18  }
0x83: {  	v38 =	vadd.s32 s23, v12;
	v40 =	vadd.s32 s30, v14;
	v55 =	vld.idx.msk [tilespmem:v48+s16+$0x0], $0xffff;
	v26 =	vadd.f32 v36, v26  }
0x84: {  	v50 =	vadd.s32 s30, v20;
	v61 =	vmul.f32 v31, v5;
	v31 =	vmul.f32 v34, v3;
	v34 =	vld.idx.msk [tilespmem:v49+s16+$0x0], $0xffff  }
0x85: {  	v51 =	vadd.s32 s30, v22;
	v47 =	vmul.f32 v47, v7;
	v46 =	vld.idx.msk [tilespmem:v46+s16+$0x0], $0xffff;
	v26 =	vadd.f32 v30, v26  }
0x86: {  	v53 =	vadd.s32 s23, v9;
	v43 =	vmul.f32 v43, v8;
	v27 =	vmul.f32 v27, v10;
	v35 =	vld.idx.msk [tilespmem:v35+s16+$0x0], $0xffff  }
0x87: {  	v60 =	vmul.f32 v33, v2;
	v45 =	vadd.s32 s23, v22;
	v59 =	vld.idx.msk [tilespmem:v28+s16+$0x0], $0xffff;
	v26 =	vadd.f32 v61, v26  }
0x88: {  	v48 =	vmov s30;
	v49 =	vmov s23;
	v40 =	vld.idx.msk [tilespmem:v40+s16+$0x0], $0xffff;
	v30 =	vmul.f32 v37, v4  }
0x89: {  	v52 =	vld.idx.msk [tilespmem:v52+s16+$0x0], $0xffff;
	v37 =	vadd.f32 v47, v26;
	v26 =	vand.u32 $0x6, v63;
	v47 =	vadd.s32 v25, v58  }
0x8a: {  	v33 =	vld.idx.msk [tilespmem:v32+s16+$0x0], $0xffff;
	v62 =	vand.u32 $0x38, v49;
	v57 =	vand.u32 $0x38, v48;
	v26 =	vor.u32 v26, v47  }
0x8b: {  	s31 =	simm.s32 $0x0;
	v61 =	vadd.s32 s30, v17;
	v47 =	vadd.s32 v25, v57;
	v57 =	vld.idx.msk [tilespmem:v29+s16+$0x0], $0xffff;
	[tilespmem:$0x1FFC0] =	vst v16;
	v32 =	vadd.f32 v43, v37  }
0x8c: {  	v28 =	vadd.s32 v25, v62;
	v58 =	vmov s31;
	v29 =	vand.u32 $0x7, v49;
	v49 =	vld.idx.msk [tilespmem:v38+s16+$0x0], $0xffff;
	[tilespmem:$0x1FFD0] =	vst v13  }
0x8d: {  	v63 =	vmul.f32 v40, v3;
	v43 =	vand.u32 $0x38, v58;
	v50 =	vld.idx.msk [tilespmem:v50+s16+$0x0], $0xffff;
	[tilespmem:$0x1FFE0] =	vst v11;
	v62 =	vadd.f32 v27, v32  }
0x8e: {  	v27 =	vor.u32 v29, v28;
	v28 =	vmul.f32 v41, v10;
	v32 =	vmul.f32 v35, v7;
	v35 =	vld.idx.msk [tilespmem:v53+s16+$0x0], $0xffff  }
0x8f: {  	v41 =	vmul.f32 v46, v5;
	v40 =	vld.idx.msk [tilespmem:v45+s16+$0x0], $0xffff;
	v45 =	vand.u32 $0x4, v58;
	v46 =	vadd.s32 v25, v43  }
0x90: {  	v53 =	vmul.f32 v33, v2;
	v33 =	vmul.f32 v55, v5;
	v55 =	vld.idx.msk [tilespmem:v61+s16+$0x0], $0xffff;
	v61 =	vor.u32 v45, v46;
	_ =	sdelay $0x1  }
0x91: {  	v0 =	vadd.s32 $0x4, v6;
	v56 =	vadd.s32 $0x108, v6;
	v24 =	vadd.s32 $0x149, v6  }
0x92: {  	v23 =	vadd.s32 $0x18A, v6;
	v21 =	vadd.s32 $0x1CB, v6;
	v42 =	vadd.s32 s23, v17  }
0x93: {  	v44 =	vadd.s32 s22, v22;
	v54 =	vadd.s32 s23, v14;
	v39 =	vmul.f32 v39, v10  }
0x94: {  	v36 =	vadd.s32 s31, v16;
	v52 =	vmul.f32 v52, v1;
	v37 =	vand.u32 $0x5, v48;
	v51 =	vld.idx.msk [tilespmem:v51+s16+$0x0], $0xffff;
	[tilespmem:v61+s18+$0x0] =	vst.idx.msk $0xffff, v62  }
0x95: {  	v18 =	vmovc v0;
	v59 =	vmul.f32 v59, v1;
	v29 =	vor.u32 v37, v47;
	v47 =	vadd.s32 s31, v0;
	v0 =	vld [tilespmem:$0x1FFF0]  }
0x96: {  	v34 =	vmul.f32 v34, v7;
	v52 =	vadd.f32 $0.0e+00, v52;
	v38 =	vadd.s32 s31, v13  }
0x97: {  	v48 =	vadd.s32 s31, v21;
	v37 =	vadd.s32 s31, v11;
	v42 =	vld.idx.msk [tilespmem:v42+s16+$0x0], $0xffff;
	v45 =	vadd.f32 $0.0e+00, v59  }
0x98: {  	v43 =	vadd.s32 s31, v23;
	v59 =	vld.idx.msk [tilespmem:v44+s16+$0x0], $0xffff;
	v58 =	vmul.f32 v49, v2;
	v49 =	vmul.f32 v57, v1  }
0x99: {  	v46 =	vadd.s32 s31, v24;
	v57 =	vadd.f32 v53, v45;
	v44 =	vmul.f32 v50, v7  }
0x9a: {  	v19 =	vmovc v21;
	v21 =	vmovc v23;
	v35 =	vmul.f32 v35, v10;
	v45 =	vmul.f32 v51, v8;
	v53 =	vadd.f32 $0.0e+00, v49  }
0x9b: {  	v40 =	vmul.f32 v40, v8;
	v49 =	vld.idx.msk [tilespmem:v54+s16+$0x0], $0xffff;
	v54 =	vadd.f32 v63, v57;
	v63 =	vmul.f32 v55, v4  }
0x9c: {  	v23 =	vmovc v24;
	v24 =	vmovc v56;
	v51 =	vadd.s32 s31, v56;
	v50 =	vmul.f32 v42, v4;
	v52 =	vadd.f32 v58, v52  }
0x9d: {  	s21 =	simm.s32 $0x4;
	v42 =	vmul.f32 v59, v8;
	v55 =	vadd.f32 v60, v53;
	v54 =	vadd.f32 v63, v54;
	v53 =	vld.idx.msk [tilespmem:v0+s16+$0x0], $0xffff  }
.LBB2_3:
0x9e: {  	_ =	sdelay $0x1  }
0x9f: {  	v47 =	vld.idx.msk [tilespmem:v47+s16+$0x0], $0xffff  }
0xa0: {  	s23 =	sadd.s32 $0x1, s21;
	v48 =	vld.idx.msk [tilespmem:v48+s16+$0x0], $0xffff  }
0xa1: {  	s24 =	sadd.s32 $0x2, s21;
	v51 =	vld.idx.msk [tilespmem:v51+s16+$0x0], $0xffff;
	v31 =	vadd.f32 v31, v55;
	v55 =	vadd.s32 s23, v6  }
0xa2: {  	s25 =	sadd.s32 $0x3, s21;
	v38 =	vld.idx.msk [tilespmem:v38+s16+$0x0], $0xffff;
	v56 =	vadd.s32 s24, v6;
	v41 =	vadd.f32 v41, v54;
	v57 =	vadd.s32 s24, v12  }
0xa3: {  	v37 =	vld.idx.msk [tilespmem:v37+s16+$0x0], $0xffff;
	v54 =	vadd.s32 s23, v12;
	v58 =	vadd.s32 s25, v20;
	v61 =	vadd.s32 s24, v14  }
0xa4: {  	v43 =	vld.idx.msk [tilespmem:v43+s16+$0x0], $0xffff;
	v59 =	vadd.s32 s24, v17;
	v60 =	vadd.s32 s25, v12;
	v0 =	vadd.s32 s24, v9  }
0xa5: {  	v46 =	vld.idx.msk [tilespmem:v46+s16+$0x0], $0xffff;
	v62 =	vadd.s32 s25, v17;
	v11 =	vadd.s32 s24, v15;
	v30 =	vadd.f32 v30, v31  }
0xa6: {  	v31 =	vld.idx.msk [tilespmem:v36+s16+$0x0], $0xffff;
	v41 =	vadd.f32 v44, v41;
	v44 =	vadd.s32 s23, v15;
	v49 =	vmul.f32 v49, v3  }
0xa7: {  	v63 =	vadd.s32 s24, v22;
	v13 =	vadd.s32 s23, v22;
	v16 =	vadd.s32 s25, v9;
	v57 =	vld.idx.msk [tilespmem:v57+s16+$0x0], $0xffff  }
0xa8: {  	v36 =	vadd.s32 s23, v14;
	v49 =	vadd.f32 v49, v52;
	v52 =	vadd.s32 s23, v9;
	v61 =	vld.idx.msk [tilespmem:v61+s16+$0x0], $0xffff  }
0xa9: {  	v53 =	vmul.f32 v53, v5;
	v47 =	vmul.f32 v47, v1;
	v41 =	vadd.f32 v45, v41;
	v0 =	vld.idx.msk [tilespmem:v0+s16+$0x0], $0xffff  }
0xaa: {  	v45 =	vadd.s32 s23, v20;
	v30 =	vadd.f32 v33, v30;
	v11 =	vld.idx.msk [tilespmem:v11+s16+$0x0], $0xffff;
	v49 =	vadd.f32 v50, v49  }
0xab: {  	v38 =	vmul.f32 v38, v3;
	v47 =	vadd.f32 $0.0e+00, v47;
	v39 =	vadd.f32 v39, v41;
	v41 =	vld.idx.msk [tilespmem:v44+s16+$0x0], $0xffff  }
0xac: {  	v33 =	vmul.f32 v37, v2;
	v30 =	vadd.f32 v34, v30;
	v49 =	vadd.f32 v53, v49;
	v53 =	vld.idx.msk [tilespmem:v59+s16+$0x0], $0xffff  }
0xad: {  	v34 =	vadd.s32 s25, v22;
	v50 =	vadd.s32 s24, v20;
	v37 =	vmul.f32 v31, v4;
	v52 =	vld.idx.msk [tilespmem:v52+s16+$0x0], $0xffff  }
0xae: {  	s22 =	smov.u32 s21;
	v44 =	vmov s23;
	v31 =	vadd.f32 v33, v47;
	v33 =	vmul.f32 v51, v5;
	[tilespmem:v29+s18+$0x0] =	vst.idx.msk $0xffff, v39;
	v39 =	vld.idx.msk [tilespmem:v58+s16+$0x0], $0xffff  }
0xaf: {  	v30 =	vadd.f32 v42, v30;
	v42 =	vadd.s32 s25, v15;
	v51 =	vmov s22;
	v58 =	vld.idx.msk [tilespmem:v63+s16+$0x0], $0xffff  }
0xb0: {  	v47 =	vadd.s32 s22, v18;
	v38 =	vadd.f32 v38, v31;
	v32 =	vadd.f32 v32, v49;
	v45 =	vld.idx.msk [tilespmem:v45+s16+$0x0], $0xffff  }
0xb1: {  	v59 =	vadd.s32 s25, v6;
	v31 =	vmul.f32 v61, v3;
	v28 =	vadd.f32 v28, v30;
	v13 =	vld.idx.msk [tilespmem:v13+s16+$0x0], $0xffff  }
0xb2: {  	v63 =	vadd.s32 s23, v17;
	v29 =	vadd.f32 v37, v38;
	v32 =	vadd.f32 v40, v32;
	v40 =	vld.idx.msk [tilespmem:v50+s16+$0x0], $0xffff  }
0xb3: {  	v49 =	vadd.s32 s25, v14;
	v37 =	vmov s25;
	v41 =	vmul.f32 v41, v5;
	v50 =	vld.idx.msk [tilespmem:v62+s16+$0x0], $0xffff  }
0xb4: {  	v61 =	vand.u32 $0x38, v37;
	v29 =	vadd.f32 v33, v29;
	v33 =	vmul.f32 v48, v10;
	v48 =	vld.idx.msk [tilespmem:v54+s16+$0x0], $0xffff  }
0xb5: {  	v30 =	vmul.f32 v53, v4;
	v53 =	vld.idx.msk [tilespmem:v36+s16+$0x0], $0xffff;
	v32 =	vadd.f32 v35, v32;
	v35 =	vmul.f32 v46, v7  }
0xb6: {  	[tilespmem:v26+s18+$0x0] =	vst.idx.msk $0xffff, v28;
	v28 =	vand.u32 $0x38, v44;
	v37 =	vand.u32 $0x7, v37;
	v38 =	vadd.s32 v25, v61;
	v61 =	vld [tilespmem:$0x1FFC0]  }
0xb7: {  	v62 =	vmov s24;
	[tilespmem:v27+s18+$0x0] =	vst.idx.msk $0xffff, v32;
	v27 =	vmul.f32 v43, v8;
	v32 =	vld.idx.msk [tilespmem:v55+s16+$0x0], $0xffff;
	v29 =	vadd.f32 v35, v29  }
0xb8: {  	v26 =	vand.u32 $0x38, v62;
	v54 =	vmul.f32 v57, v2;
	v28 =	vadd.s32 v25, v28;
	v35 =	vld.idx.msk [tilespmem:v56+s16+$0x0], $0xffff  }
0xb9: {  	v43 =	vand.u32 $0x6, v62;
	v62 =	vld [tilespmem:$0x1FFD0];
	v27 =	vadd.f32 v27, v29;
	v29 =	vand.u32 $0x5, v44  }
0xba: {  	v26 =	vadd.s32 v25, v26;
	v29 =	vor.u32 v29, v28;
	v28 =	vmul.f32 v0, v10;
	v0 =	vld [tilespmem:$0x1FFE0]  }
0xbb: {  	v55 =	vld.idx.msk [tilespmem:v63+s16+$0x0], $0xffff;
	v26 =	vor.u32 v43, v26;
	v43 =	vand.u32 $0x38, v51;
	v51 =	vand.u32 $0x4, v51  }
0xbc: {  	v46 =	vld.idx.msk [tilespmem:v59+s16+$0x0], $0xffff;
	v50 =	vmul.f32 v50, v4;
	v36 =	vadd.s32 s22, v61;
	v57 =	vmul.f32 v53, v3  }
0xbd: {  	v60 =	vld.idx.msk [tilespmem:v60+s16+$0x0], $0xffff;
	v53 =	vadd.s32 v25, v43;
	v44 =	vmul.f32 v45, v7;
	v45 =	vmul.f32 v13, v8  }
0xbe: {  	v61 =	vor.u32 v51, v53;
	v53 =	vld.idx.msk [tilespmem:v42+s16+$0x0], $0xffff;
	v42 =	vmul.f32 v58, v8;
	v56 =	vadd.f32 v33, v27  }
0xbf: {  	v16 =	vld.idx.msk [tilespmem:v16+s16+$0x0], $0xffff;
	v27 =	vor.u32 v37, v38;
	v37 =	vadd.s32 s22, v0;
	v0 =	vmul.f32 v32, v1  }
0xc0: {  	v43 =	vadd.s32 s22, v21;
	v33 =	vmul.f32 v11, v5;
	v11 =	vld.idx.msk [tilespmem:v34+s16+$0x0], $0xffff;
	v34 =	vmul.f32 v40, v7  }
0xc1: {  	v32 =	vmul.f32 v39, v7;
	v39 =	vmul.f32 v48, v2;
	v0 =	vadd.f32 $0.0e+00, v0  }
0xc2: {  	p0 =	slt.u32 s21, $0x3C;
	v51 =	vadd.s32 s22, v24;
	v63 =	vmul.f32 v35, v1;
	v59 =	vmul.f32 v46, v1  }
.Ltmp0:
0xc3: {  	v38 =	vadd.s32 s22, v62;
	v60 =	vmul.f32 v60, v2;
	v0 =	vadd.f32 v39, v0;
	(pc) =	sbr.rel @p0 .LBB2_3-.Ltmp0, $4  }
0xc4: {  	v35 =	vmul.f32 v16, v10;
	v13 =	vadd.f32 $0.0e+00, v63;
	v16 =	vadd.f32 $0.0e+00, v59  }
0xc5: {  	v40 =	vmul.f32 v11, v8;
	v11 =	vmul.f32 v55, v4;
	v0 =	vadd.f32 v57, v0  }
0xc6: {  	v46 =	vadd.s32 s22, v23;
	v48 =	vadd.s32 s22, v19;
	[tilespmem:v61+s18+$0x0] =	vst.idx.msk $0xffff, v56;
	v55 =	vadd.f32 v54, v13  }
0xc7: {  	s21 =	sadd.s32 $0x4, s21;
	v49 =	vld.idx.msk [tilespmem:v49+s16+$0x0], $0xffff;
	v39 =	vmul.f32 v52, v10;
	v52 =	vadd.f32 v60, v16;
	v54 =	vadd.f32 v11, v0  }
0xc8: {  	_ =	sdelay $0x3  }
0xc9: {  	v1 =	vadd.f32 v31, v55;
	v0 =	vmul.f32 v49, v3;
	_ =	sdelay $0x1  }
0xca: {  	v1 =	vadd.f32 v30, v1;
	v0 =	vadd.f32 v0, v52;
	_ =	sdelay $0x1  }
0xcb: {  	v2 =	vmul.f32 v53, v5;
	v1 =	vadd.f32 v33, v1;
	v0 =	vadd.f32 v50, v0  }
0xcc: {  	v62 =	vadd.f32 v41, v54  }
0xcd: {  	v1 =	vadd.f32 v34, v1;
	v0 =	vadd.f32 v2, v0  }
0xce: {  	v63 =	vadd.f32 v44, v62  }
0xcf: {  	s20 =	sadd.s32 $0x1, s20;
	v1 =	vadd.f32 v42, v1;
	v0 =	vadd.f32 v32, v0  }
0xd0: {  	p0 =	sne.s32 s20, $0x28;
	v2 =	vadd.f32 v45, v63  }
.Ltmp1:
0xd1: {  	v1 =	vadd.f32 v28, v1;
	v0 =	vadd.f32 v40, v0;
	(pc) =	sbr.rel @p0 .LBB2_2-.Ltmp1, $4  }
0xd2: {  	v2 =	vadd.f32 v39, v2  }
0xd3: {  	[tilespmem:v26+s18+$0x0] =	vst.idx.msk $0xffff, v1;
	v0 =	vadd.f32 v35, v0  }
0xd4: {  	[tilespmem:v29+s18+$0x0] =	vst.idx.msk $0xffff, v2  }
0xd5: {  	[tilespmem:v27+s18+$0x0] =	vst.idx.msk $0xffff, v0  }
0xd6: {  	s20 =	simm.s32 $0xB1C0  }
0xd7: {  	s21 =	simm.s32 $0x8;
	s23 =	sadd.s32 $0x0, s9;
	s22 =	simm.s32 $0xB208  }
.LBB2_6:
0xd8: {  	[hbm4b:s23+s2] =	stream.linear.scatter [tilespmem:s20], [sflag:$0x2], $0x40, $0x38;
	[tilespmem:$0x165C0] =	vst v63  }
0xd9: {  	s23 =	smov.u32 s21;
	s20 =	smov.u32 s22;
	p0 =	sne.s32 s21, $0x13F8  }
.Ltmp2:
0xda: {  	s21 =	sadd.s32 $0x8, s21;
	(pc) =	sbr.rel @p0 .LBB2_6-.Ltmp2, $2  }
0xdb: {  	_ =	sdelay $0x2  }
0xdc: {  	s22 =	sadd.s32 $0x48, s22;
	s23 =	sadd.s32 s23, s9  }
0xdd: {  	s19 =	sadd.s32 $0x1, s19  }
0xde: {  	p0 =	sne.s32 s19, s10  }
.Ltmp3:
0xdf: {  	_ = 	snop;
	(pc) =	sbr.rel @p0 .LBB2_1-.Ltmp3, $4  }
0xe0: {  	[hbm4b:s23+s2] =	stream.linear.scatter [tilespmem:s20], [sflag:$0x2], $0x40, $0x38;
	[tilespmem:$0x165C0] =	vst v63  }
0xe1: {  	_ =	swait.ge [sflag:s11], $0xA000  }
0xe2: {  	[sflag:s11] =	ssyncset.done $0x0  }
0xe3: {  	[sflag:s11] =	ssyncadd.s32 $0xFFFF6000  }
0xe4: {  	_ =	sfence.sel $0x180000  }
0xe5: {  	[bflag:$0x0] =	sbarrier.arrive $0xFFFF  }
0xe6: {  	p0 =	sne.s32 s0, $0x0;
	_ =	strace $0x9000004A  }
0xe7: {  	s0 =	sadd.s32 @!p0 $0x100000, s1;
	[bflag:$0x2] =	sbarrier.arrive $0xFFFF  }
0xe8: {  	[sflag:s0] =	ssyncadd.tile.s32 @!p0 $0x1;
	_ =	shalt  }
.Lfunc_end2:
_tile_overlayer_lowered:
.L_overlay_start_2:
0xe9: {  	(tag) =	ssettag $0x2  }
0xea: {  	s0 =	rddreg [dreg:$0x0];
	s2 =	stileid.u32  }
0xeb: {  	s1 =	rddreg [dreg:$0x1];
	p0 =	sne.s32 s2, $0x0  }
0xec: {  	s3 =	rddreg [dreg:$0x2];
	[bflag:$0x3] =	sbarrier.arrive $0xFFFF;
	s2 =	simm.s32 @!p0 $0x1C02  }
0xed: {  	[timem:s3], [sflag:s2] =	dma.local @!p0 [hbm:s0], s1  }
0xee: {  	s0 =	simm.s32 @!p0 $0x2  }
0xef: {  	_ =	swait.ge @!p0 [sflag:s0], s1  }
0xf0: {  	s1 =	ssub.s32 @!p0 $0x0, s1;
	[sflag:s0] =	ssyncset.done @!p0 $0x0  }
0xf1: {  	[sflag:s0] =	ssyncadd.s32 @!p0 s1  }
0xf2: {  	[bflag:$0x3] =	sbarrier.arrive $0xFFFF  }
0xf3: {  	_ =	shalt  }

// kernel: kernel.7.cloned.1.call-start
scs
__scs_entry_jumppad:
0x0: {  	(pc) =	sbr.rel $0x88, $3  }
0x1: {  	(tag) =	ssettag $0x0;
	lr =	simm.s32 $0x1  }
0x2: {  	[smem:$0x3F92] =	sst lr;
	_ =	strace $0xD0000000  }
0x3: {  	_ = 	snop  }
0x4: {  	_ = 	snop  }
0x5: {  	_ = 	snop  }
0x6: {  	_ = 	snop  }
0x7: {  	_ = 	snop  }
__scs_overlays_trampoline_lowered:
0x8: {  	[smem:$0x3FA1] =	sst s0  }
0x9: {  	[smem:$0x3FA2] =	sst s1  }
0xa: {  	[smem:$0x3FA3] =	sst s2  }
0xb: {  	[smem:$0x3FA4] =	sst s3  }
0xc: {  	[smem:$0x3FA5] =	sst s4  }
0xd: {  	[smem:$0x3FA6] =	sst s5  }
0xe: {  	[smem:$0x3FA7] =	sst s6  }
0xf: {  	[smem:$0x3FA8] =	sst s7  }
0x10: {  	[smem:$0x3FA9] =	sst s8  }
0x11: {  	[smem:$0x3FAA] =	sst s9;
	s0 =	simm.s32 @!p0 $0x0  }
0x12: {  	s1 =	sld [smem:$0x3F90];
	s0 =	simm.s32 @p0 $0x1  }
0x13: {  	[smem:$0x3FAB] =	sst s0;
	s0 =	simm.s32 @!p1 $0x0  }
0x14: {  	s2 =	sld [smem:$0x3F8F];
	s0 =	simm.s32 @p1 $0x1  }
0x15: {  	[smem:$0x3FAC] =	sst s0;
	s0 =	simm.s32 @!p2 $0x0  }
0x16: {  	s3 =	sld [smem:$0x3FDB];
	s0 =	simm.s32 @p2 $0x1  }
0x17: {  	s4 =	simm.s32 $0x1BF5;
	[smem:$0x3FAE] =	sst s0  }
0x18: {  	s0 =	sld [smem:$0x3F91];
	_ =	swait.ge [sflag:s4], $0x0  }
0x19: {  	s7 =	sld [smem:$0x3F92]  }
0x1a: {  	s8 =	sadd.s32 $0xFFFFE003, lr  }
0x1b: {  	s9 =	sadd.s32 $0xFFFFFEF7, lr;
	s5 =	simm.s32 $0xFFFFFFFF;
	p2 =	slt.u32 s8, $0xFFFFF086  }
0x1c: {  	p1 =	slt.u32 s9, $0xF7A;
	s5 =	simm.s32 @!p2 $0x0  }
0x1d: {  	s5 =	simm.s32 @p1 $0x1;
	p0 =	seq.s32 s7, s2  }
0x1e: {  	s7 =	smul.u32 @!p0 $0xF7A, s2;
	p2 =	seq.s32 @!p0 s5, $0x0  }
0x1f: {  	s9 =	smul.u32 $0xF7A, s1;
	s8 =	simm.s32 @!p0 $0x1BF5;
	p2 =	por !p2, p0  }
0x20: {  	[sflag:s8] =	ssyncset.s32 @!p0 $0xFFFFF086;
	s6 =	sadd.s32 @!p0 s3, s7;
	s7 =	simm.s32 @!p0 $0x108  }
0x21: {  	s3 =	sadd.s32 s3, s9;
	s6 =	sadd.s32 @!p0 $0x88, s6;
	s7 =	simm.s32 @p2 $0x1082  }
0x22: {  	[simem:s7], [sflag:s8] =	dma.local @!p0 [hbm:s6], $0xF7A  }
0x23: {  	s9 =	sor.u32 $0xD0000000, s2;
	s6 =	simm.s32 $0x108;
	_ =	swait.ge @!p0 [sflag:s8], $0x0  }
0x24: {  	s3 =	sadd.s32 $0x88, s3;
	s6 =	simm.s32 @!p1 $0x1082;
	[sflag:s4] =	ssyncset.s32 $0xFFFFF086  }
0x25: {  	[simem:s6], [sflag:s4] =	dma.local [hbm:s3], $0xF7A  }
0x26: {  	[smem:$0x3F92] =	sst s1;
	(tag) =	ssettag s2;
	_ =	strace s9  }
0x27: {  	s1 =	sld [smem:$0x3FA2]  }
0x28: {  	s2 =	sld [smem:$0x3FA3]  }
0x29: {  	s4 =	sld [smem:$0x3FA5]  }
0x2a: {  	p0 =	seq.s32 s5, $0x0;
	s5 =	sld [smem:$0x3FA6]  }
0x2b: {  	s6 =	sld [smem:$0x3FA7]  }
0x2c: {  	s7 =	sld [smem:$0x3FA8]  }
0x2d: {  	s3 =	simm.s32 $0x108;
	s8 =	sld [smem:$0x3FA9]  }
0x2e: {  	s3 =	simm.s32 @!p0 $0x1082;
	s9 =	sld [smem:$0x3FAA]  }
0x2f: {  	lr =	sadd.s32 s0, s3;
	s0 =	sld [smem:$0x3FA1]  }
0x30: {  	s3 =	sld [smem:$0x3FA4]  }
0x31: {  	[smem:$0x3FAD] =	sst s10  }
0x32: {  	s10 =	sld [smem:$0x3FAB];
	_ =	sdelay $0x3  }
0x33: {  	p0 =	seq.s32 s10, $0x1;
	s10 =	sld [smem:$0x3FAD];
	_ =	sdelay $0x3  }
0x34: {  	[smem:$0x3FAD] =	sst s10  }
0x35: {  	s10 =	sld [smem:$0x3FAC];
	_ =	sdelay $0x3  }
0x36: {  	p1 =	seq.s32 s10, $0x1;
	s10 =	sld [smem:$0x3FAD];
	_ =	sdelay $0x3  }
0x37: {  	[smem:$0x3FAD] =	sst s10  }
0x38: {  	s10 =	sld [smem:$0x3FAE]  }
0x39: {  	_ = 	snop;
	(pc) =	sbr.ind lr, $3  }
0x3a: {  	_ = 	snop  }
0x3b: {  	_ = 	snop  }
0x3c: {  	p2 =	seq.s32 s10, $0x1;
	s10 =	sld [smem:$0x3FAD]  }
0x3d: {  	_ =	shalt  }
0x3e: {  	_ =	shalt  }
0x3f: {  	_ =	shalt  }
0x40: {  	_ =	shalt  }
0x41: {  	_ =	shalt  }
0x42: {  	_ =	shalt  }
0x43: {  	_ =	shalt  }
0x44: {  	_ =	shalt  }
0x45: {  	_ =	shalt  }
0x46: {  	_ =	shalt  }
0x47: {  	_ =	shalt  }
0x48: {  	_ =	shalt  }
0x49: {  	_ =	shalt  }
0x4a: {  	_ =	shalt  }
0x4b: {  	_ =	shalt  }
0x4c: {  	_ =	shalt  }
0x4d: {  	_ =	shalt  }
0x4e: {  	_ =	shalt  }
0x4f: {  	_ =	shalt  }
0x50: {  	_ =	shalt  }
0x51: {  	_ =	shalt  }
0x52: {  	_ =	shalt  }
0x53: {  	_ =	shalt  }
0x54: {  	_ =	shalt  }
0x55: {  	_ =	shalt  }
0x56: {  	_ =	shalt  }
0x57: {  	_ =	shalt  }
0x58: {  	_ =	shalt  }
0x59: {  	_ =	shalt  }
0x5a: {  	_ =	shalt  }
0x5b: {  	_ =	shalt  }
0x5c: {  	_ =	shalt  }
0x5d: {  	_ =	shalt  }
0x5e: {  	_ =	shalt  }
0x5f: {  	_ =	shalt  }
0x60: {  	_ =	shalt  }
0x61: {  	_ =	shalt  }
0x62: {  	_ =	shalt  }
0x63: {  	_ =	shalt  }
0x64: {  	_ =	shalt  }
0x65: {  	_ =	shalt  }
0x66: {  	_ =	shalt  }
0x67: {  	_ =	shalt  }
0x68: {  	_ =	shalt  }
0x69: {  	_ =	shalt  }
0x6a: {  	_ =	shalt  }
0x6b: {  	_ =	shalt  }
0x6c: {  	_ =	shalt  }
0x6d: {  	_ =	shalt  }
0x6e: {  	_ =	shalt  }
0x6f: {  	_ =	shalt  }
0x70: {  	_ =	shalt  }
0x71: {  	_ =	shalt  }
0x72: {  	_ =	shalt  }
0x73: {  	_ =	shalt  }
0x74: {  	_ =	shalt  }
0x75: {  	_ =	shalt  }
0x76: {  	_ =	shalt  }
0x77: {  	_ =	shalt  }
0x78: {  	_ =	shalt  }
0x79: {  	_ =	shalt  }
0x7a: {  	_ =	shalt  }
0x7b: {  	_ =	shalt  }
0x7c: {  	_ =	shalt  }
0x7d: {  	_ =	shalt  }
0x7e: {  	_ =	shalt  }
0x7f: {  	_ =	shalt  }
0x80: {  	_ =	shalt  }
0x81: {  	_ =	shalt  }
0x82: {  	_ =	shalt  }
0x83: {  	_ =	shalt  }
0x84: {  	_ =	shalt  }
0x85: {  	_ =	shalt  }
0x86: {  	_ =	shalt  }
0x87: {  	_ =	shalt  }
.Lfunc_end0:
.L_simem_size_0:
called_computation_lowered:
.L_overlay_start_0:
0x88: {  	s2 =	sld [smem:$0x3FD9]  }
0x89: {  	s3 =	sld [smem:$0x3FFE];
	_ =	sdelay $0x1  }
0x8a: {  	s1 =	srdreg.scid  }
0x8b: {  	s0 =	sand.u32 $0x1, s1  }
0x8c: {  	s14 =	sshll.u32 s0, $0xA;
	s2 =	sadd.s32 s3, s2  }
0x8d: {  	s2 =	sadd.s32 s2, s14  }
0x8e: {  	[smem:$0x3FB9] =	sst s2  }
0x8f: {  	_ = 	snop  }
0x90: {  	s2 =	sld [smem:$0x3FD0];
	_ =	sdelay $0x2  }
0x91: {  	s4 =	simm.s32 $0xA;
	s5 =	simm.s32 $0x10;
	s15 =	sld [smem:$0x3FC7]  }
0x92: {  	[smem:s5], [sflag:s4] =	dma.local [hbm:s2], $0x1  }
0x93: {  	_ =	swait.eq [sflag:s4], $0x1  }
0x94: {  	[sflag:s4] =	ssyncset.done $0x0  }
0x95: {  	[sflag:s4] =	ssyncadd.s32 $0xFFFFFFFF  }
0x96: {  	s16 =	sld [smem:$0x11];
	(tm) =	ssettm $0x1  }
0x97: {  	s17 =	sld [smem:$0x3FFB];
	_ =	sdelay $0x3  }
0x98: {  	_ =	strace s17  }
0x99: {  	s4 =	sld [smem:$0x3FFC];
	_ =	sdelay $0x3  }
0x9a: {  	_ =	strace s4  }
0x9b: {  	s4 =	sld [smem:$0x3FFD];
	_ =	sdelay $0x3  }
0x9c: {  	_ =	strace s4  }
0x9d: {  	_ =	strace $0x8FFFFFFF  }
0x9e: {  	s18 =	sld [smem:$0x3FDB];
	_ =	sdelay $0x1  }
0x9f: {  	s19 =	simm.s32 $_scs_section_size  }
0xa0: {  	s6 =	simm.s32 $_size__tile_overlayer_lowered;
	s7 =	simm.s32 $_tile_overlayer_lowered  }
0xa1: {  	s22 =	simm.s32 $0x1BFF;
	s21 =	sshll.u32 s7, $0x1;
	s4 =	sadd.s32 s19, s18  }
0xa2: {  	s8 =	simm.s32 $0x0;
	s20 =	sshll.u32 s6, $0x1;
	s6 =	sadd.s32 s21, s4  }
0xa3: {  	[timem:s8], [sflag:s22] =	dma.local [hbm:s6], s20  }
0xa4: {  	_ =	swait.ge [sflag:s22], s20  }
0xa5: {  	s5 =	ssub.s32 $0x0, s20;
	[sflag:s22] =	ssyncset.done $0x0  }
0xa6: {  	[sflag:s22] =	ssyncadd.s32 s5;
	_ =	sdelay $0x1  }
0xa7: {  	s23 =	simm.s32 $0x1B8B  }
0xa8: {  	_ =	swait.ge [sflag:s23], $0x1  }
0xa9: {  	[sflag:s23] =	ssyncset.done $0x0  }
0xaa: {  	s25 =	simm.s32 $0x1B8E;
	s24 =	sld [smem:$0x3FFE];
	[sflag:s23] =	ssyncadd.s32 $0xFFFFFFFF  }
0xab: {  	s26 =	simm.s32 $execute0_lowered;
	[smem:$0x3FD2] =	sst s25  }
0xac: {  	s6 =	sshll.u32 s26, $0x1;
	_ =	strace $0x80000046;
	[dreg:$0x1] =	wrdreg $0xFFFFFFFF  }
0xad: {  	s28 =	simm.s32 $_size_execute0_lowered;
	s4 =	sadd.s32 s4, s6;
	[dreg:$0x0] =	wrdreg $0x0  }
0xae: {  	s6 =	sshll.u32 s28, $0x1;
	[dreg:$0x2] =	wrdreg s4  }
0xaf: {  	[dreg:$0x3] =	wrdreg s6  }
0xb0: {  	[dreg:$0x4] =	wrdreg $0xC0  }
0xb1: {  	_ =	task [dreg:s8], $0x5FFFF  }
0xb2: {  	[dreg:$0x1] =	wrdreg $0xFFFFFFFF  }
0xb3: {  	[dreg:$0x0] =	wrdreg $0x60  }
0xb4: {  	[dreg:$0x2] =	wrdreg s15  }
0xb5: {  	[dreg:$0x3] =	wrdreg s24  }
0xb6: {  	[dreg:$0x4] =	wrdreg s16  }
0xb7: {  	[dreg:$0x5] =	wrdreg $0x9  }
0xb8: {  	_ =	task.clear_ibuf [dreg:s8], $0x6FFFF;
	_ =	strace $0x90000046  }
0xb9: {  	s29 =	simm.s32 $0x9;
	_ =	strace $0x80000048  }
0xba: {  	_ =	swait.ge [sflag:s29], $0x1  }
0xbb: {  	[sflag:s29] =	ssyncadd.s32 $0xFFFFFFFF  }
0xbc: {  	_ =	strace $0x90000048  }
0xbd: {  	_ =	sfence  }
0xbe: {  	s30 =	sld [smem:$0x0];
	_ =	sdelay $0x2  }
0xbf: {  	s31 =	sshll.u32 s1, $0xD;
	s1 =	sshrl.u32 s1, $0x2  }
0xc0: {  	s3 =	sand.u32 $0x4000, s31;
	s1 =	sadd.s32 s1, s30  }
0xc1: {  	s0 =	sor.u32 s3, s0;
	s1 =	sshll.u32 s1, $0x11  }
0xc2: {  	s0 =	sor.u32 s1, s0  }
0xc3: {  	s0 =	sadd.s32 $0x8F2B, s0  }
0xc4: {  	[sflag:s0] =	ssyncadd.remote.s32 $0x1  }
0xc5: {  	_ =	sfence.sel $0xFFFF  }
0xc6: {  	[dreg:$0x0] =	wrdreg $0xFFFFFFFF;
	(pc) =	sbr.abs _section_cstart, $3  }
0xc7: {  	[dreg:$0x1] =	wrdreg $0xFFFFFFFF  }
0xc8: {  	_ =	task.clear_ibuf [dreg:s8], $0x2FFFF;
	_ =	strace $0x9FFFFFFF  }
0xc9: {  	(tm) =	ssettm $0x7FFFFFFF  }
tec
execute0_lowered:
.L_overlay_start_1:
0x0: {  	(tag) =	ssettag $0x1  }
0x1: {  	s3 =	rddreg [dreg:$0x0]  }
0x2: {  	s14 =	rddreg [dreg:$0x1]  }
0x3: {  	s4 =	srdreg.scid;
	s1 =	stileid.u32  }
0x4: {  	s13 =	rddreg [dreg:$0x2];
	s15 =	sand.u32 $0x1, s4;
	s30 =	sshll.u32 s1, $0x1  }
0x5: {  	s0 =	rddreg [dreg:$0x3];
	s2 =	simm.s32 $0x0;
	s16 =	sor.u32 s15, s30  }
0x6: {  	[smem:$0x7FF] =	sst s2;
	s4 =	sshll.u32 s16, $0x2  }
0x7: {  	_ =	strace $0x80000047;
	s4 =	sadd.s32 s3, s4;
	s3 =	simm.s32 $0x2  }
0x8: {  	[tilespmem:s2], [sflag:$0x2] =	stream.linear.gather [hbm4b:s4+s2], $0x20, $0x38;
	[tilespmem:$0xAAA0] =	vst v63  }
0x9: {  	s5 =	smul.u32 $0x50, s16;
	_ =	swait.ge [sflag:s3], $0x20  }
0xa: {  	s6 =	simm.s32 $0x20;
	[sflag:s3] =	ssyncset.done $0x0  }
0xb: {  	s7 =	sadd.s32 s5, s14;
	s5 =	sadd.s32 $0x18A800, s14;
	[sflag:s3] =	ssyncadd.s32 $0xFFFFFFE0  }
0xc: {  	[tilespmem:s6], [sflag:$0x1] =	stream.indirect.gather [hbm4b:s5+s6], $0x40, s2, s6, $0xb8;
	[tilespmem:$0xAAA0] =	vst v63  }
0xd: {  	s8 =	simm.s32 $0x820;
	s7 =	sadd.s32 $0x3400, s7  }
0xe: {  	[tilespmem:s8], [sflag:$0x2] =	stream.linear.gather [hbm4b:s7+s2], $0x280, $0x38;
	[tilespmem:$0xAAA0] =	vst v63  }
0xf: {  	_ =	swait.ge [sflag:s3], $0x280  }
0x10: {  	s10 =	simm.s32 $0x280;
	s11 =	simm.s32 $0xAA0;
	[sflag:s3] =	ssyncset.done $0x0  }
0x11: {  	s12 =	simm.s32 $0x1;
	s9 =	sadd.s32 $0x3E00, s14;
	[sflag:s3] =	ssyncadd.s32 $0xFFFFFD80  }
0x12: {  	[tilespmem:s11], [sflag:$0x1] =	stream.indirect.gather [hbm4b:s9+s10], $0x40, s8, s10, $0xb8;
	[tilespmem:$0xAAA0] =	vst v63  }
0x13: {  	_ =	swait.ge [sflag:s12], $0x800  }
0x14: {  	s17 =	sshll.u32 s16, $0x8;
	[sflag:s12] =	ssyncset.done $0x0  }
0x15: {  	s15 =	ssub.s32 $0x2, s15;
	s13 =	sadd.s32 s13, s17;
	[sflag:s12] =	ssyncadd.s32 $0xFFFFF800  }
0x16: {  	[hbm4b:s13+s2] =	stream.linear.scatter [tilespmem:s6], [sflag:$0x2], $0x800, $0x38;
	[tilespmem:$0xAAA0] =	vst v63  }
0x17: {  	s31 =	sshrl.u32 s15, $0x1;
	_ =	swait.ge [sflag:s3], $0x800  }
0x18: {  	s15 =	ssub.s32 s15, s31;
	[sflag:s3] =	ssyncset.done $0x0  }
0x19: {  	s16 =	smul.u32 $0x1400, s16;
	s15 =	smax.u32 s15, $0x1;
	[sflag:s3] =	ssyncadd.s32 $0xFFFFF800  }
0x1a: {  	p0 =	sne.s32 s15, $0x1;
	_ =	swait.ge [sflag:s12], $0xA000  }
.Ltmp0:
0x1b: {  	s14 =	sadd.s32 s16, s14;
	[sflag:s12] =	ssyncset.done $0x0;
	(pc) =	sbr.rel @!p0 .LBB2_2-.Ltmp0, $4  }
0x1c: {  	s14 =	sadd.s32 $0xBE00, s14;
	[sflag:s12] =	ssyncadd.s32 $0xFFFF6000  }
0x1d: {  	[hbm4b:s14+s2] =	stream.linear.scatter [tilespmem:s11], [sflag:$0x2], $0xA000, $0x38;
	[tilespmem:$0xAAA0] =	vst v63  }
0x1e: {  	_ =	swait.ge [sflag:s3], $0xA000  }
0x1f: {  	s15 =	sadd.s32 $0xFFFFFFFF, s15;
	[sflag:s3] =	ssyncset.done $0x0  }
.LBB2_1:
0x20: {  	p0 =	sne.s32 s15, $0x1;
	s15 =	sadd.s32 $0xFFFFFFFF, s15;
	[sflag:s3] =	ssyncadd.s32 $0xFFFF6000  }
0x21: {  	[tilespmem:s2], [sflag:$0x2] =	stream.linear.gather [hbm4b:s4+s2], $0x20, $0x38;
	[tilespmem:$0xAAA0] =	vst v63  }
0x22: {  	_ =	swait.ge [sflag:s3], $0x20  }
0x23: {  	[sflag:s3] =	ssyncset.done $0x0  }
0x24: {  	[sflag:s3] =	ssyncadd.s32 $0xFFFFFFE0  }
0x25: {  	[tilespmem:s6], [sflag:$0x1] =	stream.indirect.gather [hbm4b:s5+s6], $0x40, s2, s6, $0xb8;
	[tilespmem:$0xAAA0] =	vst v63  }
0x26: {  	_ = 	snop  }
0x27: {  	[tilespmem:s8], [sflag:$0x2] =	stream.linear.gather [hbm4b:s7+s2], $0x280, $0x38;
	[tilespmem:$0xAAA0] =	vst v63  }
0x28: {  	_ =	swait.ge [sflag:s3], $0x280  }
0x29: {  	[sflag:s3] =	ssyncset.done $0x0  }
0x2a: {  	[sflag:s3] =	ssyncadd.s32 $0xFFFFFD80  }
0x2b: {  	[tilespmem:s11], [sflag:$0x1] =	stream.indirect.gather [hbm4b:s9+s10], $0x40, s8, s10, $0xb8;
	[tilespmem:$0xAAA0] =	vst v63  }
0x2c: {  	_ =	swait.ge [sflag:s12], $0x800  }
0x2d: {  	[sflag:s12] =	ssyncset.done $0x0  }
0x2e: {  	[sflag:s12] =	ssyncadd.s32 $0xFFFFF800  }
0x2f: {  	[hbm4b:s13+s2] =	stream.linear.scatter [tilespmem:s6], [sflag:$0x2], $0x800, $0x38;
	[tilespmem:$0xAAA0] =	vst v63  }
0x30: {  	_ =	swait.ge [sflag:s3], $0x800  }
0x31: {  	[sflag:s3] =	ssyncset.done $0x0  }
0x32: {  	[sflag:s3] =	ssyncadd.s32 $0xFFFFF800  }
0x33: {  	_ =	swait.ge [sflag:s12], $0xA000  }
.Ltmp1:
0x34: {  	[sflag:s12] =	ssyncset.done $0x0;
	(pc) =	sbr.rel @p0 .LBB2_1-.Ltmp1, $4  }
0x35: {  	[sflag:s12] =	ssyncadd.s32 $0xFFFF6000  }
0x36: {  	[hbm4b:s14+s2] =	stream.linear.scatter [tilespmem:s11], [sflag:$0x2], $0xA000, $0x38;
	[tilespmem:$0xAAA0] =	vst v63  }
0x37: {  	_ =	swait.ge [sflag:s3], $0xA000  }
0x38: {  	[sflag:s3] =	ssyncset.done $0x0  }
.LBB2_2:
0x39: {  	[sflag:s3] =	ssyncadd.s32 $0xFFFF6000  }
0x3a: {  	_ =	sfence.sel $0x180000  }
0x3b: {  	[bflag:$0x0] =	sbarrier.arrive $0xFFFF  }
0x3c: {  	p0 =	sne.s32 s1, $0x0;
	_ =	strace $0x90000047  }
0x3d: {  	s0 =	sadd.s32 @!p0 $0x100000, s0;
	[bflag:$0x2] =	sbarrier.arrive $0xFFFF  }
0x3e: {  	[sflag:s0] =	ssyncadd.tile.s32 @!p0 $0x1;
	_ =	shalt  }
.Lfunc_end2:
_tile_overlayer_lowered:
.L_overlay_start_2:
0x3f: {  	(tag) =	ssettag $0x2  }
0x40: {  	s0 =	rddreg [dreg:$0x0];
	s2 =	stileid.u32  }
0x41: {  	s1 =	rddreg [dreg:$0x1];
	p0 =	sne.s32 s2, $0x0  }
0x42: {  	s3 =	rddreg [dreg:$0x2];
	[bflag:$0x3] =	sbarrier.arrive $0xFFFF;
	s2 =	simm.s32 @!p0 $0x1C02  }
0x43: {  	[timem:s3], [sflag:s2] =	dma.local @!p0 [hbm:s0], s1  }
0x44: {  	s0 =	simm.s32 @!p0 $0x2  }
0x45: {  	_ =	swait.ge @!p0 [sflag:s0], s1  }
0x46: {  	s1 =	ssub.s32 @!p0 $0x0, s1;
	[sflag:s0] =	ssyncset.done @!p0 $0x0  }
0x47: {  	[sflag:s0] =	ssyncadd.s32 @!p0 s1  }
0x48: {  	[bflag:$0x3] =	sbarrier.arrive $0xFFFF  }
0x49: {  	_ =	shalt  }

</sc_bundles>
